<compile_context>
chip_gen: v7x
topology: tpu7x:2x2x1
jax: 0.10.2.dev20260603
libtpu: 0.0.44.dev20260713+nightly
codegen_flags: <defaults>
</compile_context>

<pallas_src>
import functools

import jax
import jax.numpy as jnp
from jax import lax
from jax.experimental import pallas as pl
from jax.experimental.pallas import tpu as pltpu
from jax.experimental.pallas import tpu_sc as plsc

N = 10000
E = 320000
D = 128

NC = 2
NS = 16
CHUNK = 128
NCHUNKS = E // CHUNK
CPT = 160
LAST = NCHUNKS - (NS - 1) * CPT
LAST_LOAD = 104
NCHUNKS_PAD = 2504

ROWS_PER_TILE = 624
ROWS_REM = N - NS * ROWS_PER_TILE

_LOG2 = 0.6931471805599453


def _sc_mesh():
    return plsc.VectorSubcoreMesh(core_axis_name="c", subcore_axis_name="s",
                                  num_cores=NC, num_subcores=NS)



def _gather_body(nodes_hbm, send2d, recv2d, sent_out, recv_out,
                 idx_all, rows0, rows1, gsem0, gsem1, wsem0, wsem1):
    c = lax.axis_index("c")
    s = lax.axis_index("s")
    cb = s * CPT
    npairs = jnp.where(s == NS - 1, LAST // 2, CPT // 2)

    def run(idx2d_hbm, out_hbm):
        @pl.when(s < NS - 1)
        def _():
            pltpu.sync_copy(idx2d_hbm.at[pl.ds(cb, CPT)], idx_all)

        @pl.when(s == NS - 1)
        def _():
            pltpu.sync_copy(idx2d_hbm.at[pl.ds(cb, LAST_LOAD)],
                            idx_all.at[pl.ds(0, LAST_LOAD)])

        def gather_start(j, buf, sem):
            pltpu.async_copy(nodes_hbm.at[idx_all.at[j]], buf, sem)

        def gather_wait(j, buf, sem):
            pltpu.make_async_copy(nodes_hbm.at[idx_all.at[j]], buf,
                                  sem).wait()

        def write_start(j, buf, sem):
            pltpu.async_copy(
                buf, out_hbm.at[pl.ds((cb + j) * CHUNK, CHUNK)], sem)

        def write_wait(sem):
            pltpu.make_async_copy(rows0, out_hbm.at[pl.ds(0, CHUNK)],
                                  sem).wait()

        def lbody(t, carry):
            j0 = 2 * t
            j1 = j0 + 1

            @pl.when(t > 0)
            def _():
                write_wait(wsem0)

            gather_start(j0, rows0, gsem0)

            @pl.when(t > 0)
            def _():
                write_wait(wsem1)

            gather_start(j1, rows1, gsem1)
            gather_wait(j0, rows0, gsem0)
            write_start(j0, rows0, wsem0)
            gather_wait(j1, rows1, gsem1)
            write_start(j1, rows1, wsem1)
            return carry

        lax.fori_loop(0, npairs, lbody, 0)
        write_wait(wsem0)
        write_wait(wsem1)

    @pl.when(c == 0)
    def _():
        run(send2d, sent_out)

    @pl.when(c == 1)
    def _():
        run(recv2d, recv_out)


@functools.cache
def _sc_gather_kernel():
    return pl.kernel(
        _gather_body,
        out_type=(
            jax.ShapeDtypeStruct((E, D), jnp.float32),
            jax.ShapeDtypeStruct((E, D), jnp.float32),
        ),
        mesh=_sc_mesh(),
        scratch_types=(
            pltpu.VMEM((CPT, CHUNK), jnp.int32),
            pltpu.VMEM((CHUNK, D), jnp.float32),
            pltpu.VMEM((CHUNK, D), jnp.float32),
            pltpu.SemaphoreType.DMA,
            pltpu.SemaphoreType.DMA,
            pltpu.SemaphoreType.DMA,
            pltpu.SemaphoreType.DMA,
        ),
    )



def _scatter_body(wsend_hbm, wrecv_hbm, send_hbm, recv_hbm, zeros_hbm,
                  sent_out, recv_out, idx0, idx1, rows0, rows1, acc,
                  lsem0, lsem1, ssem0, ssem1):
    c = lax.axis_index("c")
    s = lax.axis_index("s")
    cb = s * CPT
    npairs = jnp.where(s == NS - 1, LAST // 2, CPT // 2)
    rbase = s * ROWS_PER_TILE

    pltpu.sync_copy(zeros_hbm.at[pl.ds(rbase, ROWS_PER_TILE)],
                    acc.at[pl.ds(rbase, ROWS_PER_TILE)])

    @pl.when(s == NS - 1)
    def _():
        pltpu.sync_copy(zeros_hbm.at[pl.ds(NS * ROWS_PER_TILE, ROWS_REM)],
                        acc.at[pl.ds(NS * ROWS_PER_TILE, ROWS_REM)])

    plsc.subcore_barrier()

    def run(idx_hbm, upd_hbm):
        def load_start(j, ibuf, rbuf, sem):
            pltpu.async_copy(
                idx_hbm.at[pl.ds((cb + j) * CHUNK, CHUNK)], ibuf, sem)
            pltpu.async_copy(
                upd_hbm.at[pl.ds((cb + j) * CHUNK, CHUNK)], rbuf, sem)

        def load_wait(j, ibuf, rbuf, sem):
            pltpu.make_async_copy(
                idx_hbm.at[pl.ds((cb + j) * CHUNK, CHUNK)], ibuf, sem).wait()
            pltpu.make_async_copy(
                upd_hbm.at[pl.ds((cb + j) * CHUNK, CHUNK)], rbuf, sem).wait()

        def scat_start(ibuf, rbuf, sem):
            pltpu.async_copy(rbuf, acc.at[ibuf], sem, add=True)

        def scat_wait(sem):
            pltpu.make_async_copy(rows0, acc.at[idx0], sem).wait()

        def lbody(t, carry):
            j0 = 2 * t
            j1 = j0 + 1

            @pl.when(t > 0)
            def _():
                scat_wait(ssem0)

            load_start(j0, idx0, rows0, lsem0)

            @pl.when(t > 0)
            def _():
                scat_wait(ssem1)

            load_start(j1, idx1, rows1, lsem1)
            load_wait(j0, idx0, rows0, lsem0)
            scat_start(idx0, rows0, ssem0)
            load_wait(j1, idx1, rows1, lsem1)
            scat_start(idx1, rows1, ssem1)
            return carry

        lax.fori_loop(0, npairs, lbody, 0)
        scat_wait(ssem0)
        scat_wait(ssem1)

    @pl.when(c == 0)
    def _():
        run(send_hbm, wsend_hbm)

    @pl.when(c == 1)
    def _():
        run(recv_hbm, wrecv_hbm)

    plsc.subcore_barrier()

    def writeback(out_hbm):
        pltpu.sync_copy(acc.at[pl.ds(rbase, ROWS_PER_TILE)],
                        out_hbm.at[pl.ds(rbase, ROWS_PER_TILE)])

        @pl.when(s == NS - 1)
        def _():
            pltpu.sync_copy(
                acc.at[pl.ds(NS * ROWS_PER_TILE, ROWS_REM)],
                out_hbm.at[pl.ds(NS * ROWS_PER_TILE, ROWS_REM)])

    @pl.when(c == 0)
    def _():
        writeback(sent_out)

    @pl.when(c == 1)
    def _():
        writeback(recv_out)


@functools.cache
def _sc_scatter_kernel():
    return pl.kernel(
        _scatter_body,
        out_type=(
            jax.ShapeDtypeStruct((N, D), jnp.float32),
            jax.ShapeDtypeStruct((N, D), jnp.float32),
        ),
        mesh=_sc_mesh(),
        scratch_types=(
            pltpu.VMEM((CHUNK,), jnp.int32),
            pltpu.VMEM((CHUNK,), jnp.int32),
            pltpu.VMEM((CHUNK, D), jnp.float32),
            pltpu.VMEM((CHUNK, D), jnp.float32),
            pltpu.VMEM_SHARED((N, D), jnp.float32),
            pltpu.SemaphoreType.DMA,
            pltpu.SemaphoreType.DMA,
            pltpu.SemaphoreType.DMA,
            pltpu.SemaphoreType.DMA,
        ),
    )



def _ssp(x):
    return jnp.maximum(x, 0.0) + jnp.log1p(jnp.exp(-jnp.abs(x))) - _LOG2


def _dot(a, b):
    return jax.lax.dot_general(a.astype(jnp.bfloat16), b.astype(jnp.bfloat16),
                               (((1,), (0,)), ((), ())),
                               preferred_element_type=jnp.float32)


def _mlp_ln(h, W2, b2, W3, b3, gamma, beta):
    h = _ssp(h)
    h = _ssp(_dot(h, W2) + b2)
    h = _dot(h, W3) + b3
    mu = jnp.mean(h, axis=1, keepdims=True)
    var = jnp.mean((h - mu) ** 2, axis=1, keepdims=True)
    h = (h - mu) * jax.lax.rsqrt(var + 1e-5)
    return h * gamma + beta


def _edge_block(e_ref, sa_ref, ra_ref,
                W1e_ref, W1s_ref, W1r_ref, b1_ref, W2_ref, b2_ref,
                W3_ref, b3_ref, g_ref, bt_ref,
                wr_ref, br_ref, ws_ref, bs_ref,
                new_e_ref, wsend_ref, wrecv_ref):
    x = e_ref[...]
    h = (_dot(x, W1e_ref[...]) + _dot(sa_ref[...], W1s_ref[...])
         + _dot(ra_ref[...], W1r_ref[...]) + b1_ref[...])
    u = _mlp_ln(h, W2_ref[...], b2_ref[...], W3_ref[...], b3_ref[...],
                g_ref[...], bt_ref[...])
    attn_r = jax.nn.sigmoid(
        jnp.sum(x * wr_ref[...], axis=1, keepdims=True) + br_ref[...])
    attn_s = jax.nn.sigmoid(
        jnp.sum(x * ws_ref[...], axis=1, keepdims=True) + bs_ref[...])
    new_e_ref[...] = x + u
    wsend_ref[...] = u * attn_s
    wrecv_ref[...] = u * attn_r


def _node_block(n_ref, ra_ref, sa_ref,
                W1n_ref, W1r_ref, W1s_ref, b1_ref, W2_ref, b2_ref,
                W3_ref, b3_ref, g_ref, bt_ref,
                out_ref):
    x = n_ref[...]
    h = (_dot(x, W1n_ref[...]) + _dot(ra_ref[...], W1r_ref[...])
         + _dot(sa_ref[...], W1s_ref[...]) + b1_ref[...])
    u = _mlp_ln(h, W2_ref[...], b2_ref[...], W3_ref[...], b3_ref[...],
                g_ref[...], bt_ref[...])
    out_ref[...] = x + u


def _full_spec(shape):
    return pl.BlockSpec(shape, lambda i: tuple(0 for _ in shape))


BE = 512
BN = 1000


def _edge_weights(p, wr, br, ws, bs):
    W1, W2, W3 = p["Ws"]
    b1, b2, b3 = p["bs"]
    row = lambda v: v.reshape(1, -1)
    return (W1[:D], W1[D:2 * D], W1[2 * D:], row(b1), W2, row(b2), W3,
            row(b3), row(p["gamma"]), row(p["beta"]),
            wr.reshape(1, D), br.reshape(1, 1), ws.reshape(1, D),
            bs.reshape(1, 1))


def _edge_call(edges, sent_attr, recv_attr, weights):
    spec = pl.BlockSpec((BE, D), lambda i: (i, 0))
    w_specs = [_full_spec(w.shape) for w in weights]
    out_shape = (
        jax.ShapeDtypeStruct((E, D), jnp.float32),
        jax.ShapeDtypeStruct((E, D), jnp.float32),
        jax.ShapeDtypeStruct((E, D), jnp.float32),
    )
    return pl.pallas_call(
        _edge_block,
        grid=(E // BE,),
        in_specs=[spec, spec, spec] + w_specs,
        out_specs=(spec, spec, spec),
        out_shape=out_shape,
    )(edges, sent_attr, recv_attr, *weights)


def _node_call(nodes, ra, sa, p):
    W1, W2, W3 = p["Ws"]
    b1, b2, b3 = p["bs"]
    row = lambda v: v.reshape(1, -1)
    weights = (W1[:D], W1[D:2 * D], W1[2 * D:], row(b1), W2, row(b2), W3,
               row(b3), row(p["gamma"]), row(p["beta"]))
    w_specs = [_full_spec(w.shape) for w in weights]
    spec = pl.BlockSpec((BN, D), lambda i: (i, 0))
    return pl.pallas_call(
        _node_block,
        grid=(N // BN,),
        in_specs=[spec] * 3 + w_specs,
        out_specs=spec,
        out_shape=jax.ShapeDtypeStruct((N, D), jnp.float32),
    )(nodes, ra, sa, *weights)



def kernel(nodes, edges, senders, receivers, cutoff, params):
    del cutoff
    pad = ((0, NCHUNKS_PAD - NCHUNKS), (0, 0))
    senders2d = jnp.pad(senders.reshape(NCHUNKS, CHUNK), pad)
    receivers2d = jnp.pad(receivers.reshape(NCHUNKS, CHUNK), pad)
    zeros = jnp.zeros((N, D), jnp.float32)
    weights = _edge_weights(params["edge_mlp"], params["w_recv"],
                            params["b_recv"], params["w_send"],
                            params["b_send"])

    sent_attr, recv_attr = _sc_gather_kernel()(nodes, senders2d, receivers2d)
    new_edges, wsend, wrecv = _edge_call(edges, sent_attr, recv_attr, weights)
    sagg, ragg = _sc_scatter_kernel()(wsend, wrecv, senders, receivers, zeros)
    new_nodes = _node_call(nodes, ragg, sagg, params["node_mlp"])
    return (new_nodes, new_edges)

# --- scband reference (transcript-rebuilt; emitter-appended) ---
"""Pipeline reference for scband-attention-interaction-network-42314017800754 (READ-ONLY COPY).

The authoritative reference and input builder live on the scoring server;
editing this copy changes nothing except your own understanding.
"""

import jax, jax.numpy as jnp
import numpy as np

LATENT = 128
HID = 128
NL = 2  # num_mlp_layers (hidden layers)
N = 10000
E = 320000


def ssp(x):
    # shifted softplus
    return jax.nn.softplus(x) - jnp.log(2.0)


def _mlp_params(key, in_dim, hid, out_dim, n_layers):
    dims = [in_dim] + [hid] * n_layers + [out_dim]
    Ws, bs = [], []
    for i in range(len(dims) - 1):
        key, k = jax.random.split(key)
        Ws.append(jax.random.normal(k, (dims[i], dims[i + 1]), jnp.float32) * (1.0 / np.sqrt(dims[i])))
        bs.append(jnp.zeros((dims[i + 1],), jnp.float32))
    return {"Ws": Ws, "bs": bs, "gamma": jnp.ones((out_dim,), jnp.float32), "beta": jnp.zeros((out_dim,), jnp.float32)}


def mlp_ln(x, p):
    h = x
    for W, b in zip(p["Ws"][:-1], p["bs"][:-1]):
        h = ssp(h @ W + b)
    h = h @ p["Ws"][-1] + p["bs"][-1]
    mu = jnp.mean(h, axis=-1, keepdims=True)
    var = jnp.var(h, axis=-1, keepdims=True)
    h = (h - mu) / jnp.sqrt(var + 1e-5)
    return h * p["gamma"] + p["beta"]


def setup_inputs(seed: int = 0) -> dict:
    key = jax.random.key(seed)
    ks = jax.random.split(key, 10)
    nodes = jax.random.normal(ks[0], (N, LATENT), jnp.float32)
    edges = jax.random.normal(ks[1], (E, LATENT), jnp.float32)
    senders = jax.random.randint(ks[2], (E,), 0, N, jnp.int32)
    receivers = jax.random.randint(ks[3], (E,), 0, N, jnp.int32)
    cutoff = jax.random.uniform(ks[4], (E, 1), jnp.float32)
    params = {
        "edge_mlp": _mlp_params(ks[5], LATENT * 3, HID, LATENT, NL),
        "node_mlp": _mlp_params(ks[6], LATENT * 3, HID, LATENT, NL),
        "w_recv": jax.random.normal(ks[7], (LATENT, 1), jnp.float32) * (1.0 / np.sqrt(LATENT)),
        "b_recv": jnp.zeros((1,), jnp.float32),
        "w_send": jax.random.normal(ks[8], (LATENT, 1), jnp.float32) * (1.0 / np.sqrt(LATENT)),
        "b_send": jnp.zeros((1,), jnp.float32),
    }
    return {"nodes": nodes, "edges": edges, "senders": senders, "receivers": receivers, "cutoff": cutoff, "params": params}


def reference(nodes, edges, senders, receivers, cutoff, params):
    # attention_gate='sigmoid', distance_cutoff=False, conditioning=False
    sent_attributes = nodes[senders]
    received_attributes = nodes[receivers]
    receive_attn = jax.nn.sigmoid(edges @ params["w_recv"] + params["b_recv"])
    send_attn = jax.nn.sigmoid(edges @ params["w_send"] + params["b_send"])
    edge_features = jnp.concatenate([edges, sent_attributes, received_attributes], axis=1)
    updated_edges = mlp_ln(edge_features, params["edge_mlp"])
    sent_agg = jax.ops.segment_sum(updated_edges * send_attn, senders, num_segments=nodes.shape[0])
    recv_agg = jax.ops.segment_sum(updated_edges * receive_attn, receivers, num_segments=nodes.shape[0])
    node_features = jnp.concatenate([nodes, recv_agg, sent_agg], axis=1)
    updated_nodes = mlp_ln(node_features, params["node_mlp"])
    new_nodes = nodes + updated_nodes
    new_edges = edges + updated_edges
    return (new_nodes, new_edges)

if __name__ == "__main__":
    import jax
    _d = setup_inputs()
    print(jax.jit(kernel)(*tuple(_d.values())))

</pallas_src>

<mosaic_0001>
#map = affine_map<(d0, d1) -> (0, 0)>
module attributes {stable_mosaic.version = 14 : i64} {
  func.func @_gather_body(%arg0: i32, %arg1: i32, %arg2: memref<10000x128xf32, #tpu.memory_space<hbm>>, %arg3: memref<2504x128xi32, #tpu.memory_space<hbm>>, %arg4: memref<2504x128xi32, #tpu.memory_space<hbm>>, %arg5: memref<320000x128xf32, #tpu.memory_space<hbm>>, %arg6: memref<320000x128xf32, #tpu.memory_space<hbm>>, %arg7: memref<160x128xi32, #tpu.memory_space<vmem>>, %arg8: memref<128x128xf32, #tpu.memory_space<vmem>>, %arg9: memref<128x128xf32, #tpu.memory_space<vmem>>, %arg10: memref<!tpu.dma_semaphore, #tpu.memory_space<semaphore_mem>>, %arg11: memref<!tpu.dma_semaphore, #tpu.memory_space<semaphore_mem>>, %arg12: memref<!tpu.dma_semaphore, #tpu.memory_space<semaphore_mem>>, %arg13: memref<!tpu.dma_semaphore, #tpu.memory_space<semaphore_mem>>) attributes {dimension_semantics = [#tpu.dimension_semantics<core_parallel>, #tpu.dimension_semantics<subcore_parallel>], iteration_bounds = array<i64: 2, 16>, scalar_prefetch = 0 : i64, scratch_operands = 7 : i64, tpu.core_type = #tpu.core_type<sc_vector_subcore>, window_params = [{transform_indices = #map}, {transform_indices = #map}, {transform_indices = #map}, {transform_indices = #map}, {transform_indices = #map}]} {
    %mul3A = arith.constant 160 : i32
    %mul3A_0 = arith.muli %arg1, %mul3A : i32
    %eq3A = arith.constant 15 : i32
    %eq3A_1 = arith.cmpi eq, %arg1, %eq3A : i32
    %jit3A = arith.constant 50 : i32
    %jit3A_2 = arith.constant 80 : i32
    %select_n3A = arith.select %eq3A_1, %jit3A, %jit3A_2 : i32
    %eq3A_3 = arith.constant 0 : i32
    %eq3A_4 = arith.cmpi eq, %arg0, %eq3A_3 : i32
    %convert_element_type3A = arith.extui %eq3A_4 : i1 to i32
    %cond3A = arith.constant 0 : i32
    %cond3A_5 = arith.cmpi ne, %convert_element_type3A, %cond3A : i32
    scf.if %cond3A_5 {
      %lt3A = arith.constant 15 : i32
      %lt3A_11 = arith.cmpi slt, %arg1, %lt3A : i32
      %convert_element_type3A_12 = arith.extui %lt3A_11 : i1 to i32
      %cond3A_13 = arith.constant 0 : i32
      %cond3A_14 = arith.cmpi ne, %convert_element_type3A_12, %cond3A_13 : i32
      scf.if %cond3A_14 {
        "tpu.region"() ({
          %run_scoped3A = tpu.sem_alloc : memref<!tpu.dma_semaphore, #tpu.memory_space<semaphore_mem>>
          %dma_start3A = arith.constant 0 : i32
          %dma_start3A_40 = tpu.memref_slice %arg3[%mul3A_0, %dma_start3A] : memref<2504x128xi32, #tpu.memory_space<hbm>> -> memref<160x128xi32, #tpu.memory_space<hbm>>
          %dma_start3A_41 = arith.constant 0 : i32
          %dma_start3A_42 = tpu.memref_slice %arg3[%mul3A_0, %dma_start3A_41] : memref<2504x128xi32, #tpu.memory_space<hbm>> -> memref<160x128xi32, #tpu.memory_space<hbm>>
          tpu.enqueue_dma source(%dma_start3A_42 : memref<160x128xi32, #tpu.memory_space<hbm>>) target(%arg7 : memref<160x128xi32, #tpu.memory_space<vmem>>) target_semaphore(%run_scoped3A : memref<!tpu.dma_semaphore, #tpu.memory_space<semaphore_mem>>)
          %dma_wait3A_43 = arith.constant 0 : i32
          %dma_wait3A_44 = tpu.memref_slice %arg3[%mul3A_0, %dma_wait3A_43] : memref<2504x128xi32, #tpu.memory_space<hbm>> -> memref<160x128xi32, #tpu.memory_space<hbm>>
          %dma_wait3A_45 = arith.constant 0 : i32
          %dma_wait3A_46 = tpu.memref_slice %arg3[%mul3A_0, %dma_wait3A_45] : memref<2504x128xi32, #tpu.memory_space<hbm>> -> memref<160x128xi32, #tpu.memory_space<hbm>>
          tpu.wait_dma2 semaphore(%run_scoped3A : memref<!tpu.dma_semaphore, #tpu.memory_space<semaphore_mem>>) src(%dma_wait3A_46 : memref<160x128xi32, #tpu.memory_space<hbm>>) dst(%arg7 : memref<160x128xi32, #tpu.memory_space<vmem>>)
          tpu.yield
        }) : () -> ()
      } else {
      }
      %eq3A_15 = arith.constant 15 : i32
      %eq3A_16 = arith.cmpi eq, %arg1, %eq3A_15 : i32
      %convert_element_type3A_17 = arith.extui %eq3A_16 : i1 to i32
      %cond3A_18 = arith.constant 0 : i32
      %cond3A_19 = arith.cmpi ne, %convert_element_type3A_17, %cond3A_18 : i32
      scf.if %cond3A_19 {
        "tpu.region"() ({
          %run_scoped3A = tpu.sem_alloc : memref<!tpu.dma_semaphore, #tpu.memory_space<semaphore_mem>>
          %dma_start3A = arith.constant 0 : i32
          %dma_start3A_40 = arith.constant 0 : i32
          %dma_start3A_41 = tpu.memref_slice %arg7[%dma_start3A, %dma_start3A_40] : memref<160x128xi32, #tpu.memory_space<vmem>> -> memref<104x128xi32, #tpu.memory_space<vmem>>
          %dma_start3A_42 = arith.constant 0 : i32
          %dma_start3A_43 = tpu.memref_slice %arg3[%mul3A_0, %dma_start3A_42] : memref<2504x128xi32, #tpu.memory_space<hbm>> -> memref<104x128xi32, #tpu.memory_space<hbm>>
          %dma_start3A_44 = arith.constant 0 : i32
          %dma_start3A_45 = arith.constant 0 : i32
          %dma_start3A_46 = tpu.memref_slice %arg7[%dma_start3A_44, %dma_start3A_45] : memref<160x128xi32, #tpu.memory_space<vmem>> -> memref<104x128xi32, #tpu.memory_space<vmem>>
          %dma_start3A_47 = arith.constant 0 : i32
          %dma_start3A_48 = tpu.memref_slice %arg3[%mul3A_0, %dma_start3A_47] : memref<2504x128xi32, #tpu.memory_space<hbm>> -> memref<104x128xi32, #tpu.memory_space<hbm>>
          tpu.enqueue_dma source(%dma_start3A_48 : memref<104x128xi32, #tpu.memory_space<hbm>>) target(%dma_start3A_46 : memref<104x128xi32, #tpu.memory_space<vmem>>) target_semaphore(%run_scoped3A : memref<!tpu.dma_semaphore, #tpu.memory_space<semaphore_mem>>)
          %dma_wait3A_49 = arith.constant 0 : i32
          %dma_wait3A_50 = arith.constant 0 : i32
          %dma_wait3A_51 = tpu.memref_slice %arg7[%dma_wait3A_49, %dma_wait3A_50] : memref<160x128xi32, #tpu.memory_space<vmem>> -> memref<104x128xi32, #tpu.memory_space<vmem>>
          %dma_wait3A_52 = arith.constant 0 : i32
          %dma_wait3A_53 = tpu.memref_slice %arg3[%mul3A_0, %dma_wait3A_52] : memref<2504x128xi32, #tpu.memory_space<hbm>> -> memref<104x128xi32, #tpu.memory_space<hbm>>
          %dma_wait3A_54 = arith.constant 0 : i32
          %dma_wait3A_55 = arith.constant 0 : i32
          %dma_wait3A_56 = tpu.memref_slice %arg7[%dma_wait3A_54, %dma_wait3A_55] : memref<160x128xi32, #tpu.memory_space<vmem>> -> memref<104x128xi32, #tpu.memory_space<vmem>>
          %dma_wait3A_57 = arith.constant 0 : i32
          %dma_wait3A_58 = tpu.memref_slice %arg3[%mul3A_0, %dma_wait3A_57] : memref<2504x128xi32, #tpu.memory_space<hbm>> -> memref<104x128xi32, #tpu.memory_space<hbm>>
          tpu.wait_dma2 semaphore(%run_scoped3A : memref<!tpu.dma_semaphore, #tpu.memory_space<semaphore_mem>>) src(%dma_wait3A_58 : memref<104x128xi32, #tpu.memory_space<hbm>>) dst(%dma_wait3A_56 : memref<104x128xi32, #tpu.memory_space<vmem>>)
          tpu.yield
        }) : () -> ()
      } else {
      }
      %while3A = arith.constant 0 : i32
      %while3A_20 = arith.constant 0 : i32
      %while3A_21 = arith.subi %select_n3A, %while3A_20 : i32
      %while3A_22 = arith.addi %while3A_20, %while3A_21 : i32
      %while3A_23 = arith.constant 1 : i32
      %while3A_24 = arith.divsi %while3A_21, %while3A_23 : i32
      %while3A_25 = arith.muli %while3A_24, %while3A_23 : i32
      %while3A_26 = arith.addi %while3A_20, %while3A_25 : i32
      %while3A_27 = arith.constant 1 : i32
      scf.for %while3A_40 = %while3A_20 to %while3A_26 step %while3A_27  : i32 {
        %mul3A_41 = arith.constant 2 : i32
        %mul3A_42 = arith.muli %mul3A_41, %while3A_40 : i32
        %add3A = arith.constant 1 : i32
        %add3A_43 = arith.addi %mul3A_42, %add3A : i32
        %gt3A = arith.constant 0 : i32
        %gt3A_44 = arith.cmpi sgt, %while3A_40, %gt3A : i32
        %convert_element_type3A_45 = arith.extui %gt3A_44 : i1 to i32
        %cond3A_46 = arith.constant 0 : i32
        %cond3A_47 = arith.cmpi ne, %convert_element_type3A_45, %cond3A_46 : i32
        scf.if %cond3A_47 {
          %dma_wait3A_90 = arith.constant 0 : i32
          %dma_wait3A_91 = arith.constant 0 : i32
          %dma_wait3A_92 = tpu.memref_slice %arg5[%dma_wait3A_90, %dma_wait3A_91] : memref<320000x128xf32, #tpu.memory_space<hbm>> -> memref<128x128xf32, #tpu.memory_space<hbm>>
          %dma_wait3A_93 = arith.constant 0 : i32
          %dma_wait3A_94 = arith.constant 0 : i32
          %dma_wait3A_95 = tpu.memref_slice %arg5[%dma_wait3A_93, %dma_wait3A_94] : memref<320000x128xf32, #tpu.memory_space<hbm>> -> memref<128x128xf32, #tpu.memory_space<hbm>>
          tpu.wait_dma2 semaphore(%arg12 : memref<!tpu.dma_semaphore, #tpu.memory_space<semaphore_mem>>) src(%arg8 : memref<128x128xf32, #tpu.memory_space<vmem>>) dst(%dma_wait3A_95 : memref<128x128xf32, #tpu.memory_space<hbm>>)
        } else {
        }
        %dma_start3A = arith.constant 0 : i32
        %dma_start3A_48 = tpu.memref_slice %arg7[%mul3A_42, %dma_start3A] : memref<160x128xi32, #tpu.memory_space<vmem>> -> memref<1x128xi32, #tpu.memory_space<vmem>>
        %dma_start3A_49 = tpu.memref_squeeze %dma_start3A_48 : memref<1x128xi32, #tpu.memory_space<vmem>> -> memref<128xi32, #tpu.memory_space<vmem>>
        %dma_start3A_50 = arith.constant 0 : i32
        %dma_start3A_51 = arith.constant 0 : i32
        %dma_start3A_52 = tpu.memref_slice %arg2[%dma_start3A_50, %dma_start3A_51] : memref<10000x128xf32, #tpu.memory_space<hbm>> -> memref<10000x128xf32, #tpu.memory_space<hbm>>
        tpu.enqueue_indirect_dma source(%dma_start3A_52 : memref<10000x128xf32, #tpu.memory_space<hbm>>) target(%arg8 : memref<128x128xf32, #tpu.memory_space<vmem>>) offsets(%dma_start3A_49 : memref<128xi32, #tpu.memory_space<vmem>>) semaphore(%arg10 : memref<!tpu.dma_semaphore, #tpu.memory_space<semaphore_mem>>)
        %gt3A_53 = arith.constant 0 : i32
        %gt3A_54 = arith.cmpi sgt, %while3A_40, %gt3A_53 : i32
        %convert_element_type3A_55 = arith.extui %gt3A_54 : i1 to i32
        %cond3A_56 = arith.constant 0 : i32
        %cond3A_57 = arith.cmpi ne, %convert_element_type3A_55, %cond3A_56 : i32
        scf.if %cond3A_57 {
          %dma_wait3A_90 = arith.constant 0 : i32
          %dma_wait3A_91 = arith.constant 0 : i32
          %dma_wait3A_92 = tpu.memref_slice %arg5[%dma_wait3A_90, %dma_wait3A_91] : memref<320000x128xf32, #tpu.memory_space<hbm>> -> memref<128x128xf32, #tpu.memory_space<hbm>>
          %dma_wait3A_93 = arith.constant 0 : i32
          %dma_wait3A_94 = arith.constant 0 : i32
          %dma_wait3A_95 = tpu.memref_slice %arg5[%dma_wait3A_93, %dma_wait3A_94] : memref<320000x128xf32, #tpu.memory_space<hbm>> -> memref<128x128xf32, #tpu.memory_space<hbm>>
          tpu.wait_dma2 semaphore(%arg13 : memref<!tpu.dma_semaphore, #tpu.memory_space<semaphore_mem>>) src(%arg8 : memref<128x128xf32, #tpu.memory_space<vmem>>) dst(%dma_wait3A_95 : memref<128x128xf32, #tpu.memory_space<hbm>>)
        } else {
        }
        %dma_start3A_58 = arith.constant 0 : i32
        %dma_start3A_59 = tpu.memref_slice %arg7[%add3A_43, %dma_start3A_58] : memref<160x128xi32, #tpu.memory_space<vmem>> -> memref<1x128xi32, #tpu.memory_space<vmem>>
        %dma_start3A_60 = tpu.memref_squeeze %dma_start3A_59 : memref<1x128xi32, #tpu.memory_space<vmem>> -> memref<128xi32, #tpu.memory_space<vmem>>
        %dma_start3A_61 = arith.constant 0 : i32
        %dma_start3A_62 = arith.constant 0 : i32
        %dma_start3A_63 = tpu.memref_slice %arg2[%dma_start3A_61, %dma_start3A_62] : memref<10000x128xf32, #tpu.memory_space<hbm>> -> memref<10000x128xf32, #tpu.memory_space<hbm>>
        tpu.enqueue_indirect_dma source(%dma_start3A_63 : memref<10000x128xf32, #tpu.memory_space<hbm>>) target(%arg9 : memref<128x128xf32, #tpu.memory_space<vmem>>) offsets(%dma_start3A_60 : memref<128xi32, #tpu.memory_space<vmem>>) semaphore(%arg11 : memref<!tpu.dma_semaphore, #tpu.memory_space<semaphore_mem>>)
        %dma_wait3A_64 = arith.constant 0 : i32
        %dma_wait3A_65 = tpu.memref_slice %arg7[%mul3A_42, %dma_wait3A_64] : memref<160x128xi32, #tpu.memory_space<vmem>> -> memref<1x128xi32, #tpu.memory_space<vmem>>
        %dma_wait3A_66 = tpu.memref_squeeze %dma_wait3A_65 : memref<1x128xi32, #tpu.memory_space<vmem>> -> memref<128xi32, #tpu.memory_space<vmem>>
        %dma_wait3A_67 = arith.constant 0 : i32
        %dma_wait3A_68 = arith.constant 0 : i32
        %dma_wait3A_69 = tpu.memref_slice %arg2[%dma_wait3A_67, %dma_wait3A_68] : memref<10000x128xf32, #tpu.memory_space<hbm>> -> memref<10000x128xf32, #tpu.memory_space<hbm>>
        tpu.wait_indirect_dma semaphore(%arg10 : memref<!tpu.dma_semaphore, #tpu.memory_space<semaphore_mem>>) src(%dma_wait3A_69 : memref<10000x128xf32, #tpu.memory_space<hbm>>) dst(%arg8 : memref<128x128xf32, #tpu.memory_space<vmem>>)
        %add3A_70 = arith.addi %mul3A_0, %mul3A_42 : i32
        %mul3A_71 = arith.constant 128 : i32
        %mul3A_72 = arith.muli %add3A_70, %mul3A_71 : i32
        %dma_start3A_73 = arith.constant 0 : i32
        %dma_start3A_74 = tpu.memref_slice %arg5[%mul3A_72, %dma_start3A_73] : memref<320000x128xf32, #tpu.memory_space<hbm>> -> memref<128x128xf32, #tpu.memory_space<hbm>>
        %dma_start3A_75 = arith.constant 0 : i32
        %dma_start3A_76 = tpu.memref_slice %arg5[%mul3A_72, %dma_start3A_75] : memref<320000x128xf32, #tpu.memory_space<hbm>> -> memref<128x128xf32, #tpu.memory_space<hbm>>
        tpu.enqueue_dma source(%arg8 : memref<128x128xf32, #tpu.memory_space<vmem>>) target(%dma_start3A_76 : memref<128x128xf32, #tpu.memory_space<hbm>>) target_semaphore(%arg12 : memref<!tpu.dma_semaphore, #tpu.memory_space<semaphore_mem>>)
        %dma_wait3A_77 = arith.constant 0 : i32
        %dma_wait3A_78 = tpu.memref_slice %arg7[%add3A_43, %dma_wait3A_77] : memref<160x128xi32, #tpu.memory_space<vmem>> -> memref<1x128xi32, #tpu.memory_space<vmem>>
        %dma_wait3A_79 = tpu.memref_squeeze %dma_wait3A_78 : memref<1x128xi32, #tpu.memory_space<vmem>> -> memref<128xi32, #tpu.memory_space<vmem>>
        %dma_wait3A_80 = arith.constant 0 : i32
        %dma_wait3A_81 = arith.constant 0 : i32
        %dma_wait3A_82 = tpu.memref_slice %arg2[%dma_wait3A_80, %dma_wait3A_81] : memref<10000x128xf32, #tpu.memory_space<hbm>> -> memref<10000x128xf32, #tpu.memory_space<hbm>>
        tpu.wait_indirect_dma semaphore(%arg11 : memref<!tpu.dma_semaphore, #tpu.memory_space<semaphore_mem>>) src(%dma_wait3A_82 : memref<10000x128xf32, #tpu.memory_space<hbm>>) dst(%arg9 : memref<128x128xf32, #tpu.memory_space<vmem>>)
        %add3A_83 = arith.addi %mul3A_0, %add3A_43 : i32
        %mul3A_84 = arith.constant 128 : i32
        %mul3A_85 = arith.muli %add3A_83, %mul3A_84 : i32
        %dma_start3A_86 = arith.constant 0 : i32
        %dma_start3A_87 = tpu.memref_slice %arg5[%mul3A_85, %dma_start3A_86] : memref<320000x128xf32, #tpu.memory_space<hbm>> -> memref<128x128xf32, #tpu.memory_space<hbm>>
        %dma_start3A_88 = arith.constant 0 : i32
        %dma_start3A_89 = tpu.memref_slice %arg5[%mul3A_85, %dma_start3A_88] : memref<320000x128xf32, #tpu.memory_space<hbm>> -> memref<128x128xf32, #tpu.memory_space<hbm>>
        tpu.enqueue_dma source(%arg9 : memref<128x128xf32, #tpu.memory_space<vmem>>) target(%dma_start3A_89 : memref<128x128xf32, #tpu.memory_space<hbm>>) target_semaphore(%arg13 : memref<!tpu.dma_semaphore, #tpu.memory_space<semaphore_mem>>)
      }
      %while3A_28 = arith.constant 1 : i32
      scf.for %while3A_40 = %while3A_26 to %while3A_22 step %while3A_28  : i32 {
        %mul3A_41 = arith.constant 2 : i32
        %mul3A_42 = arith.muli %mul3A_41, %while3A_40 : i32
        %add3A = arith.constant 1 : i32
        %add3A_43 = arith.addi %mul3A_42, %add3A : i32
        %gt3A = arith.constant 0 : i32
        %gt3A_44 = arith.cmpi sgt, %while3A_40, %gt3A : i32
        %convert_element_type3A_45 = arith.extui %gt3A_44 : i1 to i32
        %cond3A_46 = arith.constant 0 : i32
        %cond3A_47 = arith.cmpi ne, %convert_element_type3A_45, %cond3A_46 : i32
        scf.if %cond3A_47 {
          %dma_wait3A_90 = arith.constant 0 : i32
          %dma_wait3A_91 = arith.constant 0 : i32
          %dma_wait3A_92 = tpu.memref_slice %arg5[%dma_wait3A_90, %dma_wait3A_91] : memref<320000x128xf32, #tpu.memory_space<hbm>> -> memref<128x128xf32, #tpu.memory_space<hbm>>
          %dma_wait3A_93 = arith.constant 0 : i32
          %dma_wait3A_94 = arith.constant 0 : i32
          %dma_wait3A_95 = tpu.memref_slice %arg5[%dma_wait3A_93, %dma_wait3A_94] : memref<320000x128xf32, #tpu.memory_space<hbm>> -> memref<128x128xf32, #tpu.memory_space<hbm>>
          tpu.wait_dma2 semaphore(%arg12 : memref<!tpu.dma_semaphore, #tpu.memory_space<semaphore_mem>>) src(%arg8 : memref<128x128xf32, #tpu.memory_space<vmem>>) dst(%dma_wait3A_95 : memref<128x128xf32, #tpu.memory_space<hbm>>)
        } else {
        }
        %dma_start3A = arith.constant 0 : i32
        %dma_start3A_48 = tpu.memref_slice %arg7[%mul3A_42, %dma_start3A] : memref<160x128xi32, #tpu.memory_space<vmem>> -> memref<1x128xi32, #tpu.memory_space<vmem>>
        %dma_start3A_49 = tpu.memref_squeeze %dma_start3A_48 : memref<1x128xi32, #tpu.memory_space<vmem>> -> memref<128xi32, #tpu.memory_space<vmem>>
        %dma_start3A_50 = arith.constant 0 : i32
        %dma_start3A_51 = arith.constant 0 : i32
        %dma_start3A_52 = tpu.memref_slice %arg2[%dma_start3A_50, %dma_start3A_51] : memref<10000x128xf32, #tpu.memory_space<hbm>> -> memref<10000x128xf32, #tpu.memory_space<hbm>>
        tpu.enqueue_indirect_dma source(%dma_start3A_52 : memref<10000x128xf32, #tpu.memory_space<hbm>>) target(%arg8 : memref<128x128xf32, #tpu.memory_space<vmem>>) offsets(%dma_start3A_49 : memref<128xi32, #tpu.memory_space<vmem>>) semaphore(%arg10 : memref<!tpu.dma_semaphore, #tpu.memory_space<semaphore_mem>>)
        %gt3A_53 = arith.constant 0 : i32
        %gt3A_54 = arith.cmpi sgt, %while3A_40, %gt3A_53 : i32
        %convert_element_type3A_55 = arith.extui %gt3A_54 : i1 to i32
        %cond3A_56 = arith.constant 0 : i32
        %cond3A_57 = arith.cmpi ne, %convert_element_type3A_55, %cond3A_56 : i32
        scf.if %cond3A_57 {
          %dma_wait3A_90 = arith.constant 0 : i32
          %dma_wait3A_91 = arith.constant 0 : i32
          %dma_wait3A_92 = tpu.memref_slice %arg5[%dma_wait3A_90, %dma_wait3A_91] : memref<320000x128xf32, #tpu.memory_space<hbm>> -> memref<128x128xf32, #tpu.memory_space<hbm>>
          %dma_wait3A_93 = arith.constant 0 : i32
          %dma_wait3A_94 = arith.constant 0 : i32
          %dma_wait3A_95 = tpu.memref_slice %arg5[%dma_wait3A_93, %dma_wait3A_94] : memref<320000x128xf32, #tpu.memory_space<hbm>> -> memref<128x128xf32, #tpu.memory_space<hbm>>
          tpu.wait_dma2 semaphore(%arg13 : memref<!tpu.dma_semaphore, #tpu.memory_space<semaphore_mem>>) src(%arg8 : memref<128x128xf32, #tpu.memory_space<vmem>>) dst(%dma_wait3A_95 : memref<128x128xf32, #tpu.memory_space<hbm>>)
        } else {
        }
        %dma_start3A_58 = arith.constant 0 : i32
        %dma_start3A_59 = tpu.memref_slice %arg7[%add3A_43, %dma_start3A_58] : memref<160x128xi32, #tpu.memory_space<vmem>> -> memref<1x128xi32, #tpu.memory_space<vmem>>
        %dma_start3A_60 = tpu.memref_squeeze %dma_start3A_59 : memref<1x128xi32, #tpu.memory_space<vmem>> -> memref<128xi32, #tpu.memory_space<vmem>>
        %dma_start3A_61 = arith.constant 0 : i32
        %dma_start3A_62 = arith.constant 0 : i32
        %dma_start3A_63 = tpu.memref_slice %arg2[%dma_start3A_61, %dma_start3A_62] : memref<10000x128xf32, #tpu.memory_space<hbm>> -> memref<10000x128xf32, #tpu.memory_space<hbm>>
        tpu.enqueue_indirect_dma source(%dma_start3A_63 : memref<10000x128xf32, #tpu.memory_space<hbm>>) target(%arg9 : memref<128x128xf32, #tpu.memory_space<vmem>>) offsets(%dma_start3A_60 : memref<128xi32, #tpu.memory_space<vmem>>) semaphore(%arg11 : memref<!tpu.dma_semaphore, #tpu.memory_space<semaphore_mem>>)
        %dma_wait3A_64 = arith.constant 0 : i32
        %dma_wait3A_65 = tpu.memref_slice %arg7[%mul3A_42, %dma_wait3A_64] : memref<160x128xi32, #tpu.memory_space<vmem>> -> memref<1x128xi32, #tpu.memory_space<vmem>>
        %dma_wait3A_66 = tpu.memref_squeeze %dma_wait3A_65 : memref<1x128xi32, #tpu.memory_space<vmem>> -> memref<128xi32, #tpu.memory_space<vmem>>
        %dma_wait3A_67 = arith.constant 0 : i32
        %dma_wait3A_68 = arith.constant 0 : i32
        %dma_wait3A_69 = tpu.memref_slice %arg2[%dma_wait3A_67, %dma_wait3A_68] : memref<10000x128xf32, #tpu.memory_space<hbm>> -> memref<10000x128xf32, #tpu.memory_space<hbm>>
        tpu.wait_indirect_dma semaphore(%arg10 : memref<!tpu.dma_semaphore, #tpu.memory_space<semaphore_mem>>) src(%dma_wait3A_69 : memref<10000x128xf32, #tpu.memory_space<hbm>>) dst(%arg8 : memref<128x128xf32, #tpu.memory_space<vmem>>)
        %add3A_70 = arith.addi %mul3A_0, %mul3A_42 : i32
        %mul3A_71 = arith.constant 128 : i32
        %mul3A_72 = arith.muli %add3A_70, %mul3A_71 : i32
        %dma_start3A_73 = arith.constant 0 : i32
        %dma_start3A_74 = tpu.memref_slice %arg5[%mul3A_72, %dma_start3A_73] : memref<320000x128xf32, #tpu.memory_space<hbm>> -> memref<128x128xf32, #tpu.memory_space<hbm>>
        %dma_start3A_75 = arith.constant 0 : i32
        %dma_start3A_76 = tpu.memref_slice %arg5[%mul3A_72, %dma_start3A_75] : memref<320000x128xf32, #tpu.memory_space<hbm>> -> memref<128x128xf32, #tpu.memory_space<hbm>>
        tpu.enqueue_dma source(%arg8 : memref<128x128xf32, #tpu.memory_space<vmem>>) target(%dma_start3A_76 : memref<128x128xf32, #tpu.memory_space<hbm>>) target_semaphore(%arg12 : memref<!tpu.dma_semaphore, #tpu.memory_space<semaphore_mem>>)
        %dma_wait3A_77 = arith.constant 0 : i32
        %dma_wait3A_78 = tpu.memref_slice %arg7[%add3A_43, %dma_wait3A_77] : memref<160x128xi32, #tpu.memory_space<vmem>> -> memref<1x128xi32, #tpu.memory_space<vmem>>
        %dma_wait3A_79 = tpu.memref_squeeze %dma_wait3A_78 : memref<1x128xi32, #tpu.memory_space<vmem>> -> memref<128xi32, #tpu.memory_space<vmem>>
        %dma_wait3A_80 = arith.constant 0 : i32
        %dma_wait3A_81 = arith.constant 0 : i32
        %dma_wait3A_82 = tpu.memref_slice %arg2[%dma_wait3A_80, %dma_wait3A_81] : memref<10000x128xf32, #tpu.memory_space<hbm>> -> memref<10000x128xf32, #tpu.memory_space<hbm>>
        tpu.wait_indirect_dma semaphore(%arg11 : memref<!tpu.dma_semaphore, #tpu.memory_space<semaphore_mem>>) src(%dma_wait3A_82 : memref<10000x128xf32, #tpu.memory_space<hbm>>) dst(%arg9 : memref<128x128xf32, #tpu.memory_space<vmem>>)
        %add3A_83 = arith.addi %mul3A_0, %add3A_43 : i32
        %mul3A_84 = arith.constant 128 : i32
        %mul3A_85 = arith.muli %add3A_83, %mul3A_84 : i32
        %dma_start3A_86 = arith.constant 0 : i32
        %dma_start3A_87 = tpu.memref_slice %arg5[%mul3A_85, %dma_start3A_86] : memref<320000x128xf32, #tpu.memory_space<hbm>> -> memref<128x128xf32, #tpu.memory_space<hbm>>
        %dma_start3A_88 = arith.constant 0 : i32
        %dma_start3A_89 = tpu.memref_slice %arg5[%mul3A_85, %dma_start3A_88] : memref<320000x128xf32, #tpu.memory_space<hbm>> -> memref<128x128xf32, #tpu.memory_space<hbm>>
        tpu.enqueue_dma source(%arg9 : memref<128x128xf32, #tpu.memory_space<vmem>>) target(%dma_start3A_89 : memref<128x128xf32, #tpu.memory_space<hbm>>) target_semaphore(%arg13 : memref<!tpu.dma_semaphore, #tpu.memory_space<semaphore_mem>>)
      }
      %dma_wait3A = arith.constant 0 : i32
      %dma_wait3A_29 = arith.constant 0 : i32
      %dma_wait3A_30 = tpu.memref_slice %arg5[%dma_wait3A, %dma_wait3A_29] : memref<320000x128xf32, #tpu.memory_space<hbm>> -> memref<128x128xf32, #tpu.memory_space<hbm>>
      %dma_wait3A_31 = arith.constant 0 : i32
      %dma_wait3A_32 = arith.constant 0 : i32
      %dma_wait3A_33 = tpu.memref_slice %arg5[%dma_wait3A_31, %dma_wait3A_32] : memref<320000x128xf32, #tpu.memory_space<hbm>> -> memref<128x128xf32, #tpu.memory_space<hbm>>
      tpu.wait_dma2 semaphore(%arg12 : memref<!tpu.dma_semaphore, #tpu.memory_space<semaphore_mem>>) src(%arg8 : memref<128x128xf32, #tpu.memory_space<vmem>>) dst(%dma_wait3A_33 : memref<128x128xf32, #tpu.memory_space<hbm>>)
      %dma_wait3A_34 = arith.constant 0 : i32
      %dma_wait3A_35 = arith.constant 0 : i32
      %dma_wait3A_36 = tpu.memref_slice %arg5[%dma_wait3A_34, %dma_wait3A_35] : memref<320000x128xf32, #tpu.memory_space<hbm>> -> memref<128x128xf32, #tpu.memory_space<hbm>>
      %dma_wait3A_37 = arith.constant 0 : i32
      %dma_wait3A_38 = arith.constant 0 : i32
      %dma_wait3A_39 = tpu.memref_slice %arg5[%dma_wait3A_37, %dma_wait3A_38] : memref<320000x128xf32, #tpu.memory_space<hbm>> -> memref<128x128xf32, #tpu.memory_space<hbm>>
      tpu.wait_dma2 semaphore(%arg13 : memref<!tpu.dma_semaphore, #tpu.memory_space<semaphore_mem>>) src(%arg8 : memref<128x128xf32, #tpu.memory_space<vmem>>) dst(%dma_wait3A_39 : memref<128x128xf32, #tpu.memory_space<hbm>>)
    } else {
    }
    %eq3A_6 = arith.constant 1 : i32
    %eq3A_7 = arith.cmpi eq, %arg0, %eq3A_6 : i32
    %convert_element_type3A_8 = arith.extui %eq3A_7 : i1 to i32
    %cond3A_9 = arith.constant 0 : i32
    %cond3A_10 = arith.cmpi ne, %convert_element_type3A_8, %cond3A_9 : i32
    scf.if %cond3A_10 {
      %lt3A = arith.constant 15 : i32
      %lt3A_11 = arith.cmpi slt, %arg1, %lt3A : i32
      %convert_element_type3A_12 = arith.extui %lt3A_11 : i1 to i32
      %cond3A_13 = arith.constant 0 : i32
      %cond3A_14 = arith.cmpi ne, %convert_element_type3A_12, %cond3A_13 : i32
      scf.if %cond3A_14 {
        "tpu.region"() ({
          %run_scoped3A = tpu.sem_alloc : memref<!tpu.dma_semaphore, #tpu.memory_space<semaphore_mem>>
          %dma_start3A = arith.constant 0 : i32
          %dma_start3A_40 = tpu.memref_slice %arg4[%mul3A_0, %dma_start3A] : memref<2504x128xi32, #tpu.memory_space<hbm>> -> memref<160x128xi32, #tpu.memory_space<hbm>>
          %dma_start3A_41 = arith.constant 0 : i32
          %dma_start3A_42 = tpu.memref_slice %arg4[%mul3A_0, %dma_start3A_41] : memref<2504x128xi32, #tpu.memory_space<hbm>> -> memref<160x128xi32, #tpu.memory_space<hbm>>
          tpu.enqueue_dma source(%dma_start3A_42 : memref<160x128xi32, #tpu.memory_space<hbm>>) target(%arg7 : memref<160x128xi32, #tpu.memory_space<vmem>>) target_semaphore(%run_scoped3A : memref<!tpu.dma_semaphore, #tpu.memory_space<semaphore_mem>>)
          %dma_wait3A_43 = arith.constant 0 : i32
          %dma_wait3A_44 = tpu.memref_slice %arg4[%mul3A_0, %dma_wait3A_43] : memref<2504x128xi32, #tpu.memory_space<hbm>> -> memref<160x128xi32, #tpu.memory_space<hbm>>
          %dma_wait3A_45 = arith.constant 0 : i32
          %dma_wait3A_46 = tpu.memref_slice %arg4[%mul3A_0, %dma_wait3A_45] : memref<2504x128xi32, #tpu.memory_space<hbm>> -> memref<160x128xi32, #tpu.memory_space<hbm>>
          tpu.wait_dma2 semaphore(%run_scoped3A : memref<!tpu.dma_semaphore, #tpu.memory_space<semaphore_mem>>) src(%dma_wait3A_46 : memref<160x128xi32, #tpu.memory_space<hbm>>) dst(%arg7 : memref<160x128xi32, #tpu.memory_space<vmem>>)
          tpu.yield
        }) : () -> ()
      } else {
      }
      %eq3A_15 = arith.constant 15 : i32
      %eq3A_16 = arith.cmpi eq, %arg1, %eq3A_15 : i32
      %convert_element_type3A_17 = arith.extui %eq3A_16 : i1 to i32
      %cond3A_18 = arith.constant 0 : i32
      %cond3A_19 = arith.cmpi ne, %convert_element_type3A_17, %cond3A_18 : i32
      scf.if %cond3A_19 {
        "tpu.region"() ({
          %run_scoped3A = tpu.sem_alloc : memref<!tpu.dma_semaphore, #tpu.memory_space<semaphore_mem>>
          %dma_start3A = arith.constant 0 : i32
          %dma_start3A_40 = arith.constant 0 : i32
          %dma_start3A_41 = tpu.memref_slice %arg7[%dma_start3A, %dma_start3A_40] : memref<160x128xi32, #tpu.memory_space<vmem>> -> memref<104x128xi32, #tpu.memory_space<vmem>>
          %dma_start3A_42 = arith.constant 0 : i32
          %dma_start3A_43 = tpu.memref_slice %arg4[%mul3A_0, %dma_start3A_42] : memref<2504x128xi32, #tpu.memory_space<hbm>> -> memref<104x128xi32, #tpu.memory_space<hbm>>
          %dma_start3A_44 = arith.constant 0 : i32
          %dma_start3A_45 = arith.constant 0 : i32
          %dma_start3A_46 = tpu.memref_slice %arg7[%dma_start3A_44, %dma_start3A_45] : memref<160x128xi32, #tpu.memory_space<vmem>> -> memref<104x128xi32, #tpu.memory_space<vmem>>
          %dma_start3A_47 = arith.constant 0 : i32
          %dma_start3A_48 = tpu.memref_slice %arg4[%mul3A_0, %dma_start3A_47] : memref<2504x128xi32, #tpu.memory_space<hbm>> -> memref<104x128xi32, #tpu.memory_space<hbm>>
          tpu.enqueue_dma source(%dma_start3A_48 : memref<104x128xi32, #tpu.memory_space<hbm>>) target(%dma_start3A_46 : memref<104x128xi32, #tpu.memory_space<vmem>>) target_semaphore(%run_scoped3A : memref<!tpu.dma_semaphore, #tpu.memory_space<semaphore_mem>>)
          %dma_wait3A_49 = arith.constant 0 : i32
          %dma_wait3A_50 = arith.constant 0 : i32
          %dma_wait3A_51 = tpu.memref_slice %arg7[%dma_wait3A_49, %dma_wait3A_50] : memref<160x128xi32, #tpu.memory_space<vmem>> -> memref<104x128xi32, #tpu.memory_space<vmem>>
          %dma_wait3A_52 = arith.constant 0 : i32
          %dma_wait3A_53 = tpu.memref_slice %arg4[%mul3A_0, %dma_wait3A_52] : memref<2504x128xi32, #tpu.memory_space<hbm>> -> memref<104x128xi32, #tpu.memory_space<hbm>>
          %dma_wait3A_54 = arith.constant 0 : i32
          %dma_wait3A_55 = arith.constant 0 : i32
          %dma_wait3A_56 = tpu.memref_slice %arg7[%dma_wait3A_54, %dma_wait3A_55] : memref<160x128xi32, #tpu.memory_space<vmem>> -> memref<104x128xi32, #tpu.memory_space<vmem>>
          %dma_wait3A_57 = arith.constant 0 : i32
          %dma_wait3A_58 = tpu.memref_slice %arg4[%mul3A_0, %dma_wait3A_57] : memref<2504x128xi32, #tpu.memory_space<hbm>> -> memref<104x128xi32, #tpu.memory_space<hbm>>
          tpu.wait_dma2 semaphore(%run_scoped3A : memref<!tpu.dma_semaphore, #tpu.memory_space<semaphore_mem>>) src(%dma_wait3A_58 : memref<104x128xi32, #tpu.memory_space<hbm>>) dst(%dma_wait3A_56 : memref<104x128xi32, #tpu.memory_space<vmem>>)
          tpu.yield
        }) : () -> ()
      } else {
      }
      %while3A = arith.constant 0 : i32
      %while3A_20 = arith.constant 0 : i32
      %while3A_21 = arith.subi %select_n3A, %while3A_20 : i32
      %while3A_22 = arith.addi %while3A_20, %while3A_21 : i32
      %while3A_23 = arith.constant 1 : i32
      %while3A_24 = arith.divsi %while3A_21, %while3A_23 : i32
      %while3A_25 = arith.muli %while3A_24, %while3A_23 : i32
      %while3A_26 = arith.addi %while3A_20, %while3A_25 : i32
      %while3A_27 = arith.constant 1 : i32
      scf.for %while3A_40 = %while3A_20 to %while3A_26 step %while3A_27  : i32 {
        %mul3A_41 = arith.constant 2 : i32
        %mul3A_42 = arith.muli %mul3A_41, %while3A_40 : i32
        %add3A = arith.constant 1 : i32
        %add3A_43 = arith.addi %mul3A_42, %add3A : i32
        %gt3A = arith.constant 0 : i32
        %gt3A_44 = arith.cmpi sgt, %while3A_40, %gt3A : i32
        %convert_element_type3A_45 = arith.extui %gt3A_44 : i1 to i32
        %cond3A_46 = arith.constant 0 : i32
        %cond3A_47 = arith.cmpi ne, %convert_element_type3A_45, %cond3A_46 : i32
        scf.if %cond3A_47 {
          %dma_wait3A_90 = arith.constant 0 : i32
          %dma_wait3A_91 = arith.constant 0 : i32
          %dma_wait3A_92 = tpu.memref_slice %arg6[%dma_wait3A_90, %dma_wait3A_91] : memref<320000x128xf32, #tpu.memory_space<hbm>> -> memref<128x128xf32, #tpu.memory_space<hbm>>
          %dma_wait3A_93 = arith.constant 0 : i32
          %dma_wait3A_94 = arith.constant 0 : i32
          %dma_wait3A_95 = tpu.memref_slice %arg6[%dma_wait3A_93, %dma_wait3A_94] : memref<320000x128xf32, #tpu.memory_space<hbm>> -> memref<128x128xf32, #tpu.memory_space<hbm>>
          tpu.wait_dma2 semaphore(%arg12 : memref<!tpu.dma_semaphore, #tpu.memory_space<semaphore_mem>>) src(%arg8 : memref<128x128xf32, #tpu.memory_space<vmem>>) dst(%dma_wait3A_95 : memref<128x128xf32, #tpu.memory_space<hbm>>)
        } else {
        }
        %dma_start3A = arith.constant 0 : i32
        %dma_start3A_48 = tpu.memref_slice %arg7[%mul3A_42, %dma_start3A] : memref<160x128xi32, #tpu.memory_space<vmem>> -> memref<1x128xi32, #tpu.memory_space<vmem>>
        %dma_start3A_49 = tpu.memref_squeeze %dma_start3A_48 : memref<1x128xi32, #tpu.memory_space<vmem>> -> memref<128xi32, #tpu.memory_space<vmem>>
        %dma_start3A_50 = arith.constant 0 : i32
        %dma_start3A_51 = arith.constant 0 : i32
        %dma_start3A_52 = tpu.memref_slice %arg2[%dma_start3A_50, %dma_start3A_51] : memref<10000x128xf32, #tpu.memory_space<hbm>> -> memref<10000x128xf32, #tpu.memory_space<hbm>>
        tpu.enqueue_indirect_dma source(%dma_start3A_52 : memref<10000x128xf32, #tpu.memory_space<hbm>>) target(%arg8 : memref<128x128xf32, #tpu.memory_space<vmem>>) offsets(%dma_start3A_49 : memref<128xi32, #tpu.memory_space<vmem>>) semaphore(%arg10 : memref<!tpu.dma_semaphore, #tpu.memory_space<semaphore_mem>>)
        %gt3A_53 = arith.constant 0 : i32
        %gt3A_54 = arith.cmpi sgt, %while3A_40, %gt3A_53 : i32
        %convert_element_type3A_55 = arith.extui %gt3A_54 : i1 to i32
        %cond3A_56 = arith.constant 0 : i32
        %cond3A_57 = arith.cmpi ne, %convert_element_type3A_55, %cond3A_56 : i32
        scf.if %cond3A_57 {
          %dma_wait3A_90 = arith.constant 0 : i32
          %dma_wait3A_91 = arith.constant 0 : i32
          %dma_wait3A_92 = tpu.memref_slice %arg6[%dma_wait3A_90, %dma_wait3A_91] : memref<320000x128xf32, #tpu.memory_space<hbm>> -> memref<128x128xf32, #tpu.memory_space<hbm>>
          %dma_wait3A_93 = arith.constant 0 : i32
          %dma_wait3A_94 = arith.constant 0 : i32
          %dma_wait3A_95 = tpu.memref_slice %arg6[%dma_wait3A_93, %dma_wait3A_94] : memref<320000x128xf32, #tpu.memory_space<hbm>> -> memref<128x128xf32, #tpu.memory_space<hbm>>
          tpu.wait_dma2 semaphore(%arg13 : memref<!tpu.dma_semaphore, #tpu.memory_space<semaphore_mem>>) src(%arg8 : memref<128x128xf32, #tpu.memory_space<vmem>>) dst(%dma_wait3A_95 : memref<128x128xf32, #tpu.memory_space<hbm>>)
        } else {
        }
        %dma_start3A_58 = arith.constant 0 : i32
        %dma_start3A_59 = tpu.memref_slice %arg7[%add3A_43, %dma_start3A_58] : memref<160x128xi32, #tpu.memory_space<vmem>> -> memref<1x128xi32, #tpu.memory_space<vmem>>
        %dma_start3A_60 = tpu.memref_squeeze %dma_start3A_59 : memref<1x128xi32, #tpu.memory_space<vmem>> -> memref<128xi32, #tpu.memory_space<vmem>>
        %dma_start3A_61 = arith.constant 0 : i32
        %dma_start3A_62 = arith.constant 0 : i32
        %dma_start3A_63 = tpu.memref_slice %arg2[%dma_start3A_61, %dma_start3A_62] : memref<10000x128xf32, #tpu.memory_space<hbm>> -> memref<10000x128xf32, #tpu.memory_space<hbm>>
        tpu.enqueue_indirect_dma source(%dma_start3A_63 : memref<10000x128xf32, #tpu.memory_space<hbm>>) target(%arg9 : memref<128x128xf32, #tpu.memory_space<vmem>>) offsets(%dma_start3A_60 : memref<128xi32, #tpu.memory_space<vmem>>) semaphore(%arg11 : memref<!tpu.dma_semaphore, #tpu.memory_space<semaphore_mem>>)
        %dma_wait3A_64 = arith.constant 0 : i32
        %dma_wait3A_65 = tpu.memref_slice %arg7[%mul3A_42, %dma_wait3A_64] : memref<160x128xi32, #tpu.memory_space<vmem>> -> memref<1x128xi32, #tpu.memory_space<vmem>>
        %dma_wait3A_66 = tpu.memref_squeeze %dma_wait3A_65 : memref<1x128xi32, #tpu.memory_space<vmem>> -> memref<128xi32, #tpu.memory_space<vmem>>
        %dma_wait3A_67 = arith.constant 0 : i32
        %dma_wait3A_68 = arith.constant 0 : i32
        %dma_wait3A_69 = tpu.memref_slice %arg2[%dma_wait3A_67, %dma_wait3A_68] : memref<10000x128xf32, #tpu.memory_space<hbm>> -> memref<10000x128xf32, #tpu.memory_space<hbm>>
        tpu.wait_indirect_dma semaphore(%arg10 : memref<!tpu.dma_semaphore, #tpu.memory_space<semaphore_mem>>) src(%dma_wait3A_69 : memref<10000x128xf32, #tpu.memory_space<hbm>>) dst(%arg8 : memref<128x128xf32, #tpu.memory_space<vmem>>)
        %add3A_70 = arith.addi %mul3A_0, %mul3A_42 : i32
        %mul3A_71 = arith.constant 128 : i32
        %mul3A_72 = arith.muli %add3A_70, %mul3A_71 : i32
        %dma_start3A_73 = arith.constant 0 : i32
        %dma_start3A_74 = tpu.memref_slice %arg6[%mul3A_72, %dma_start3A_73] : memref<320000x128xf32, #tpu.memory_space<hbm>> -> memref<128x128xf32, #tpu.memory_space<hbm>>
        %dma_start3A_75 = arith.constant 0 : i32
        %dma_start3A_76 = tpu.memref_slice %arg6[%mul3A_72, %dma_start3A_75] : memref<320000x128xf32, #tpu.memory_space<hbm>> -> memref<128x128xf32, #tpu.memory_space<hbm>>
        tpu.enqueue_dma source(%arg8 : memref<128x128xf32, #tpu.memory_space<vmem>>) target(%dma_start3A_76 : memref<128x128xf32, #tpu.memory_space<hbm>>) target_semaphore(%arg12 : memref<!tpu.dma_semaphore, #tpu.memory_space<semaphore_mem>>)
        %dma_wait3A_77 = arith.constant 0 : i32
        %dma_wait3A_78 = tpu.memref_slice %arg7[%add3A_43, %dma_wait3A_77] : memref<160x128xi32, #tpu.memory_space<vmem>> -> memref<1x128xi32, #tpu.memory_space<vmem>>
        %dma_wait3A_79 = tpu.memref_squeeze %dma_wait3A_78 : memref<1x128xi32, #tpu.memory_space<vmem>> -> memref<128xi32, #tpu.memory_space<vmem>>
        %dma_wait3A_80 = arith.constant 0 : i32
        %dma_wait3A_81 = arith.constant 0 : i32
        %dma_wait3A_82 = tpu.memref_slice %arg2[%dma_wait3A_80, %dma_wait3A_81] : memref<10000x128xf32, #tpu.memory_space<hbm>> -> memref<10000x128xf32, #tpu.memory_space<hbm>>
        tpu.wait_indirect_dma semaphore(%arg11 : memref<!tpu.dma_semaphore, #tpu.memory_space<semaphore_mem>>) src(%dma_wait3A_82 : memref<10000x128xf32, #tpu.memory_space<hbm>>) dst(%arg9 : memref<128x128xf32, #tpu.memory_space<vmem>>)
        %add3A_83 = arith.addi %mul3A_0, %add3A_43 : i32
        %mul3A_84 = arith.constant 128 : i32
        %mul3A_85 = arith.muli %add3A_83, %mul3A_84 : i32
        %dma_start3A_86 = arith.constant 0 : i32
        %dma_start3A_87 = tpu.memref_slice %arg6[%mul3A_85, %dma_start3A_86] : memref<320000x128xf32, #tpu.memory_space<hbm>> -> memref<128x128xf32, #tpu.memory_space<hbm>>
        %dma_start3A_88 = arith.constant 0 : i32
        %dma_start3A_89 = tpu.memref_slice %arg6[%mul3A_85, %dma_start3A_88] : memref<320000x128xf32, #tpu.memory_space<hbm>> -> memref<128x128xf32, #tpu.memory_space<hbm>>
        tpu.enqueue_dma source(%arg9 : memref<128x128xf32, #tpu.memory_space<vmem>>) target(%dma_start3A_89 : memref<128x128xf32, #tpu.memory_space<hbm>>) target_semaphore(%arg13 : memref<!tpu.dma_semaphore, #tpu.memory_space<semaphore_mem>>)
      }
      %while3A_28 = arith.constant 1 : i32
      scf.for %while3A_40 = %while3A_26 to %while3A_22 step %while3A_28  : i32 {
        %mul3A_41 = arith.constant 2 : i32
        %mul3A_42 = arith.muli %mul3A_41, %while3A_40 : i32
        %add3A = arith.constant 1 : i32
        %add3A_43 = arith.addi %mul3A_42, %add3A : i32
        %gt3A = arith.constant 0 : i32
        %gt3A_44 = arith.cmpi sgt, %while3A_40, %gt3A : i32
        %convert_element_type3A_45 = arith.extui %gt3A_44 : i1 to i32
        %cond3A_46 = arith.constant 0 : i32
        %cond3A_47 = arith.cmpi ne, %convert_element_type3A_45, %cond3A_46 : i32
        scf.if %cond3A_47 {
          %dma_wait3A_90 = arith.constant 0 : i32
          %dma_wait3A_91 = arith.constant 0 : i32
          %dma_wait3A_92 = tpu.memref_slice %arg6[%dma_wait3A_90, %dma_wait3A_91] : memref<320000x128xf32, #tpu.memory_space<hbm>> -> memref<128x128xf32, #tpu.memory_space<hbm>>
          %dma_wait3A_93 = arith.constant 0 : i32
          %dma_wait3A_94 = arith.constant 0 : i32
          %dma_wait3A_95 = tpu.memref_slice %arg6[%dma_wait3A_93, %dma_wait3A_94] : memref<320000x128xf32, #tpu.memory_space<hbm>> -> memref<128x128xf32, #tpu.memory_space<hbm>>
          tpu.wait_dma2 semaphore(%arg12 : memref<!tpu.dma_semaphore, #tpu.memory_space<semaphore_mem>>) src(%arg8 : memref<128x128xf32, #tpu.memory_space<vmem>>) dst(%dma_wait3A_95 : memref<128x128xf32, #tpu.memory_space<hbm>>)
        } else {
        }
        %dma_start3A = arith.constant 0 : i32
        %dma_start3A_48 = tpu.memref_slice %arg7[%mul3A_42, %dma_start3A] : memref<160x128xi32, #tpu.memory_space<vmem>> -> memref<1x128xi32, #tpu.memory_space<vmem>>
        %dma_start3A_49 = tpu.memref_squeeze %dma_start3A_48 : memref<1x128xi32, #tpu.memory_space<vmem>> -> memref<128xi32, #tpu.memory_space<vmem>>
        %dma_start3A_50 = arith.constant 0 : i32
        %dma_start3A_51 = arith.constant 0 : i32
        %dma_start3A_52 = tpu.memref_slice %arg2[%dma_start3A_50, %dma_start3A_51] : memref<10000x128xf32, #tpu.memory_space<hbm>> -> memref<10000x128xf32, #tpu.memory_space<hbm>>
        tpu.enqueue_indirect_dma source(%dma_start3A_52 : memref<10000x128xf32, #tpu.memory_space<hbm>>) target(%arg8 : memref<128x128xf32, #tpu.memory_space<vmem>>) offsets(%dma_start3A_49 : memref<128xi32, #tpu.memory_space<vmem>>) semaphore(%arg10 : memref<!tpu.dma_semaphore, #tpu.memory_space<semaphore_mem>>)
        %gt3A_53 = arith.constant 0 : i32
        %gt3A_54 = arith.cmpi sgt, %while3A_40, %gt3A_53 : i32
        %convert_element_type3A_55 = arith.extui %gt3A_54 : i1 to i32
        %cond3A_56 = arith.constant 0 : i32
        %cond3A_57 = arith.cmpi ne, %convert_element_type3A_55, %cond3A_56 : i32
        scf.if %cond3A_57 {
          %dma_wait3A_90 = arith.constant 0 : i32
          %dma_wait3A_91 = arith.constant 0 : i32
          %dma_wait3A_92 = tpu.memref_slice %arg6[%dma_wait3A_90, %dma_wait3A_91] : memref<320000x128xf32, #tpu.memory_space<hbm>> -> memref<128x128xf32, #tpu.memory_space<hbm>>
          %dma_wait3A_93 = arith.constant 0 : i32
          %dma_wait3A_94 = arith.constant 0 : i32
          %dma_wait3A_95 = tpu.memref_slice %arg6[%dma_wait3A_93, %dma_wait3A_94] : memref<320000x128xf32, #tpu.memory_space<hbm>> -> memref<128x128xf32, #tpu.memory_space<hbm>>
          tpu.wait_dma2 semaphore(%arg13 : memref<!tpu.dma_semaphore, #tpu.memory_space<semaphore_mem>>) src(%arg8 : memref<128x128xf32, #tpu.memory_space<vmem>>) dst(%dma_wait3A_95 : memref<128x128xf32, #tpu.memory_space<hbm>>)
        } else {
        }
        %dma_start3A_58 = arith.constant 0 : i32
        %dma_start3A_59 = tpu.memref_slice %arg7[%add3A_43, %dma_start3A_58] : memref<160x128xi32, #tpu.memory_space<vmem>> -> memref<1x128xi32, #tpu.memory_space<vmem>>
        %dma_start3A_60 = tpu.memref_squeeze %dma_start3A_59 : memref<1x128xi32, #tpu.memory_space<vmem>> -> memref<128xi32, #tpu.memory_space<vmem>>
        %dma_start3A_61 = arith.constant 0 : i32
        %dma_start3A_62 = arith.constant 0 : i32
        %dma_start3A_63 = tpu.memref_slice %arg2[%dma_start3A_61, %dma_start3A_62] : memref<10000x128xf32, #tpu.memory_space<hbm>> -> memref<10000x128xf32, #tpu.memory_space<hbm>>
        tpu.enqueue_indirect_dma source(%dma_start3A_63 : memref<10000x128xf32, #tpu.memory_space<hbm>>) target(%arg9 : memref<128x128xf32, #tpu.memory_space<vmem>>) offsets(%dma_start3A_60 : memref<128xi32, #tpu.memory_space<vmem>>) semaphore(%arg11 : memref<!tpu.dma_semaphore, #tpu.memory_space<semaphore_mem>>)
        %dma_wait3A_64 = arith.constant 0 : i32
        %dma_wait3A_65 = tpu.memref_slice %arg7[%mul3A_42, %dma_wait3A_64] : memref<160x128xi32, #tpu.memory_space<vmem>> -> memref<1x128xi32, #tpu.memory_space<vmem>>
        %dma_wait3A_66 = tpu.memref_squeeze %dma_wait3A_65 : memref<1x128xi32, #tpu.memory_space<vmem>> -> memref<128xi32, #tpu.memory_space<vmem>>
        %dma_wait3A_67 = arith.constant 0 : i32
        %dma_wait3A_68 = arith.constant 0 : i32
        %dma_wait3A_69 = tpu.memref_slice %arg2[%dma_wait3A_67, %dma_wait3A_68] : memref<10000x128xf32, #tpu.memory_space<hbm>> -> memref<10000x128xf32, #tpu.memory_space<hbm>>
        tpu.wait_indirect_dma semaphore(%arg10 : memref<!tpu.dma_semaphore, #tpu.memory_space<semaphore_mem>>) src(%dma_wait3A_69 : memref<10000x128xf32, #tpu.memory_space<hbm>>) dst(%arg8 : memref<128x128xf32, #tpu.memory_space<vmem>>)
        %add3A_70 = arith.addi %mul3A_0, %mul3A_42 : i32
        %mul3A_71 = arith.constant 128 : i32
        %mul3A_72 = arith.muli %add3A_70, %mul3A_71 : i32
        %dma_start3A_73 = arith.constant 0 : i32
        %dma_start3A_74 = tpu.memref_slice %arg6[%mul3A_72, %dma_start3A_73] : memref<320000x128xf32, #tpu.memory_space<hbm>> -> memref<128x128xf32, #tpu.memory_space<hbm>>
        %dma_start3A_75 = arith.constant 0 : i32
        %dma_start3A_76 = tpu.memref_slice %arg6[%mul3A_72, %dma_start3A_75] : memref<320000x128xf32, #tpu.memory_space<hbm>> -> memref<128x128xf32, #tpu.memory_space<hbm>>
        tpu.enqueue_dma source(%arg8 : memref<128x128xf32, #tpu.memory_space<vmem>>) target(%dma_start3A_76 : memref<128x128xf32, #tpu.memory_space<hbm>>) target_semaphore(%arg12 : memref<!tpu.dma_semaphore, #tpu.memory_space<semaphore_mem>>)
        %dma_wait3A_77 = arith.constant 0 : i32
        %dma_wait3A_78 = tpu.memref_slice %arg7[%add3A_43, %dma_wait3A_77] : memref<160x128xi32, #tpu.memory_space<vmem>> -> memref<1x128xi32, #tpu.memory_space<vmem>>
        %dma_wait3A_79 = tpu.memref_squeeze %dma_wait3A_78 : memref<1x128xi32, #tpu.memory_space<vmem>> -> memref<128xi32, #tpu.memory_space<vmem>>
        %dma_wait3A_80 = arith.constant 0 : i32
        %dma_wait3A_81 = arith.constant 0 : i32
        %dma_wait3A_82 = tpu.memref_slice %arg2[%dma_wait3A_80, %dma_wait3A_81] : memref<10000x128xf32, #tpu.memory_space<hbm>> -> memref<10000x128xf32, #tpu.memory_space<hbm>>
        tpu.wait_indirect_dma semaphore(%arg11 : memref<!tpu.dma_semaphore, #tpu.memory_space<semaphore_mem>>) src(%dma_wait3A_82 : memref<10000x128xf32, #tpu.memory_space<hbm>>) dst(%arg9 : memref<128x128xf32, #tpu.memory_space<vmem>>)
        %add3A_83 = arith.addi %mul3A_0, %add3A_43 : i32
        %mul3A_84 = arith.constant 128 : i32
        %mul3A_85 = arith.muli %add3A_83, %mul3A_84 : i32
        %dma_start3A_86 = arith.constant 0 : i32
        %dma_start3A_87 = tpu.memref_slice %arg6[%mul3A_85, %dma_start3A_86] : memref<320000x128xf32, #tpu.memory_space<hbm>> -> memref<128x128xf32, #tpu.memory_space<hbm>>
        %dma_start3A_88 = arith.constant 0 : i32
        %dma_start3A_89 = tpu.memref_slice %arg6[%mul3A_85, %dma_start3A_88] : memref<320000x128xf32, #tpu.memory_space<hbm>> -> memref<128x128xf32, #tpu.memory_space<hbm>>
        tpu.enqueue_dma source(%arg9 : memref<128x128xf32, #tpu.memory_space<vmem>>) target(%dma_start3A_89 : memref<128x128xf32, #tpu.memory_space<hbm>>) target_semaphore(%arg13 : memref<!tpu.dma_semaphore, #tpu.memory_space<semaphore_mem>>)
      }
      %dma_wait3A = arith.constant 0 : i32
      %dma_wait3A_29 = arith.constant 0 : i32
      %dma_wait3A_30 = tpu.memref_slice %arg6[%dma_wait3A, %dma_wait3A_29] : memref<320000x128xf32, #tpu.memory_space<hbm>> -> memref<128x128xf32, #tpu.memory_space<hbm>>
      %dma_wait3A_31 = arith.constant 0 : i32
      %dma_wait3A_32 = arith.constant 0 : i32
      %dma_wait3A_33 = tpu.memref_slice %arg6[%dma_wait3A_31, %dma_wait3A_32] : memref<320000x128xf32, #tpu.memory_space<hbm>> -> memref<128x128xf32, #tpu.memory_space<hbm>>
      tpu.wait_dma2 semaphore(%arg12 : memref<!tpu.dma_semaphore, #tpu.memory_space<semaphore_mem>>) src(%arg8 : memref<128x128xf32, #tpu.memory_space<vmem>>) dst(%dma_wait3A_33 : memref<128x128xf32, #tpu.memory_space<hbm>>)
      %dma_wait3A_34 = arith.constant 0 : i32
      %dma_wait3A_35 = arith.constant 0 : i32
      %dma_wait3A_36 = tpu.memref_slice %arg6[%dma_wait3A_34, %dma_wait3A_35] : memref<320000x128xf32, #tpu.memory_space<hbm>> -> memref<128x128xf32, #tpu.memory_space<hbm>>
      %dma_wait3A_37 = arith.constant 0 : i32
      %dma_wait3A_38 = arith.constant 0 : i32
      %dma_wait3A_39 = tpu.memref_slice %arg6[%dma_wait3A_37, %dma_wait3A_38] : memref<320000x128xf32, #tpu.memory_space<hbm>> -> memref<128x128xf32, #tpu.memory_space<hbm>>
      tpu.wait_dma2 semaphore(%arg13 : memref<!tpu.dma_semaphore, #tpu.memory_space<semaphore_mem>>) src(%arg8 : memref<128x128xf32, #tpu.memory_space<vmem>>) dst(%dma_wait3A_39 : memref<128x128xf32, #tpu.memory_space<hbm>>)
    } else {
    }
    return
  }
}

#map = affine_map<(d0, d1) -> (0, 0)>
#map1 = affine_map<(d0, d1) -> (0)>
module attributes {stable_mosaic.version = 14 : i64} {
  func.func @_scatter_body(%arg0: i32, %arg1: i32, %arg2: memref<320000x128xf32, #tpu.memory_space<hbm>>, %arg3: memref<320000x128xf32, #tpu.memory_space<hbm>>, %arg4: memref<320000xi32, #tpu.memory_space<hbm>>, %arg5: memref<320000xi32, #tpu.memory_space<hbm>>, %arg6: memref<10000x128xf32, #tpu.memory_space<hbm>>, %arg7: memref<10000x128xf32, #tpu.memory_space<hbm>>, %arg8: memref<10000x128xf32, #tpu.memory_space<hbm>>, %arg9: memref<128xi32, #tpu.memory_space<vmem>>, %arg10: memref<128xi32, #tpu.memory_space<vmem>>, %arg11: memref<128x128xf32, #tpu.memory_space<vmem>>, %arg12: memref<128x128xf32, #tpu.memory_space<vmem>>, %arg13: memref<10000x128xf32, #tpu.memory_space<vmem_shared>>, %arg14: memref<!tpu.dma_semaphore, #tpu.memory_space<semaphore_mem>>, %arg15: memref<!tpu.dma_semaphore, #tpu.memory_space<semaphore_mem>>, %arg16: memref<!tpu.dma_semaphore, #tpu.memory_space<semaphore_mem>>, %arg17: memref<!tpu.dma_semaphore, #tpu.memory_space<semaphore_mem>>) attributes {dimension_semantics = [#tpu.dimension_semantics<core_parallel>, #tpu.dimension_semantics<subcore_parallel>], iteration_bounds = array<i64: 2, 16>, scalar_prefetch = 0 : i64, scratch_operands = 9 : i64, tpu.core_type = #tpu.core_type<sc_vector_subcore>, window_params = [{transform_indices = #map}, {transform_indices = #map}, {transform_indices = #map1}, {transform_indices = #map1}, {transform_indices = #map}, {transform_indices = #map}, {transform_indices = #map}]} {
    %mul3A = arith.constant 160 : i32
    %mul3A_0 = arith.muli %arg1, %mul3A : i32
    %eq3A = arith.constant 15 : i32
    %eq3A_1 = arith.cmpi eq, %arg1, %eq3A : i32
    %jit3A = arith.constant 50 : i32
    %jit3A_2 = arith.constant 80 : i32
    %select_n3A = arith.select %eq3A_1, %jit3A, %jit3A_2 : i32
    %mul3A_3 = arith.constant 624 : i32
    %mul3A_4 = arith.muli %arg1, %mul3A_3 : i32
    "tpu.region"() ({
      %run_scoped3A = tpu.sem_alloc : memref<!tpu.dma_semaphore, #tpu.memory_space<semaphore_mem>>
      %dma_start3A = arith.constant 0 : i32
      %dma_start3A_29 = tpu.memref_slice %arg13[%mul3A_4, %dma_start3A] : memref<10000x128xf32, #tpu.memory_space<vmem_shared>> -> memref<624x128xf32, #tpu.memory_space<vmem_shared>>
      %dma_start3A_30 = arith.constant 0 : i32
      %dma_start3A_31 = tpu.memref_slice %arg6[%mul3A_4, %dma_start3A_30] : memref<10000x128xf32, #tpu.memory_space<hbm>> -> memref<624x128xf32, #tpu.memory_space<hbm>>
      tpu.enqueue_dma source(%dma_start3A_31 : memref<624x128xf32, #tpu.memory_space<hbm>>) target(%dma_start3A_29 : memref<624x128xf32, #tpu.memory_space<vmem_shared>>) target_semaphore(%run_scoped3A : memref<!tpu.dma_semaphore, #tpu.memory_space<semaphore_mem>>)
      %dma_wait3A = arith.constant 0 : i32
      %dma_wait3A_32 = tpu.memref_slice %arg13[%mul3A_4, %dma_wait3A] : memref<10000x128xf32, #tpu.memory_space<vmem_shared>> -> memref<624x128xf32, #tpu.memory_space<vmem_shared>>
      %dma_wait3A_33 = arith.constant 0 : i32
      %dma_wait3A_34 = tpu.memref_slice %arg6[%mul3A_4, %dma_wait3A_33] : memref<10000x128xf32, #tpu.memory_space<hbm>> -> memref<624x128xf32, #tpu.memory_space<hbm>>
      tpu.wait_dma2 semaphore(%run_scoped3A : memref<!tpu.dma_semaphore, #tpu.memory_space<semaphore_mem>>) src(%dma_wait3A_34 : memref<624x128xf32, #tpu.memory_space<hbm>>) dst(%dma_wait3A_32 : memref<624x128xf32, #tpu.memory_space<vmem_shared>>)
      tpu.yield
    }) : () -> ()
    %eq3A_5 = arith.constant 15 : i32
    %eq3A_6 = arith.cmpi eq, %arg1, %eq3A_5 : i32
    %convert_element_type3A = arith.extui %eq3A_6 : i1 to i32
    %cond3A = arith.constant 0 : i32
    %cond3A_7 = arith.cmpi ne, %convert_element_type3A, %cond3A : i32
    scf.if %cond3A_7 {
      "tpu.region"() ({
        %run_scoped3A = tpu.sem_alloc : memref<!tpu.dma_semaphore, #tpu.memory_space<semaphore_mem>>
        %dma_start3A = arith.constant 9984 : i32
        %dma_start3A_29 = arith.constant 0 : i32
        %dma_start3A_30 = tpu.memref_slice %arg13[%dma_start3A, %dma_start3A_29] : memref<10000x128xf32, #tpu.memory_space<vmem_shared>> -> memref<16x128xf32, #tpu.memory_space<vmem_shared>>
        %dma_start3A_31 = arith.constant 9984 : i32
        %dma_start3A_32 = arith.constant 0 : i32
        %dma_start3A_33 = tpu.memref_slice %arg6[%dma_start3A_31, %dma_start3A_32] : memref<10000x128xf32, #tpu.memory_space<hbm>> -> memref<16x128xf32, #tpu.memory_space<hbm>>
        tpu.enqueue_dma source(%dma_start3A_33 : memref<16x128xf32, #tpu.memory_space<hbm>>) target(%dma_start3A_30 : memref<16x128xf32, #tpu.memory_space<vmem_shared>>) target_semaphore(%run_scoped3A : memref<!tpu.dma_semaphore, #tpu.memory_space<semaphore_mem>>)
        %dma_wait3A = arith.constant 9984 : i32
        %dma_wait3A_34 = arith.constant 0 : i32
        %dma_wait3A_35 = tpu.memref_slice %arg13[%dma_wait3A, %dma_wait3A_34] : memref<10000x128xf32, #tpu.memory_space<vmem_shared>> -> memref<16x128xf32, #tpu.memory_space<vmem_shared>>
        %dma_wait3A_36 = arith.constant 9984 : i32
        %dma_wait3A_37 = arith.constant 0 : i32
        %dma_wait3A_38 = tpu.memref_slice %arg6[%dma_wait3A_36, %dma_wait3A_37] : memref<10000x128xf32, #tpu.memory_space<hbm>> -> memref<16x128xf32, #tpu.memory_space<hbm>>
        tpu.wait_dma2 semaphore(%run_scoped3A : memref<!tpu.dma_semaphore, #tpu.memory_space<semaphore_mem>>) src(%dma_wait3A_38 : memref<16x128xf32, #tpu.memory_space<hbm>>) dst(%dma_wait3A_35 : memref<16x128xf32, #tpu.memory_space<vmem_shared>>)
        tpu.yield
      }) : () -> ()
    } else {
    }
    %barrier3A = arith.constant 0 : index
    tpu.barrier barrier_id(%barrier3A)
    %eq3A_8 = arith.constant 0 : i32
    %eq3A_9 = arith.cmpi eq, %arg0, %eq3A_8 : i32
    %convert_element_type3A_10 = arith.extui %eq3A_9 : i1 to i32
    %cond3A_11 = arith.constant 0 : i32
    %cond3A_12 = arith.cmpi ne, %convert_element_type3A_10, %cond3A_11 : i32
    scf.if %cond3A_12 {
      %while3A = arith.constant 0 : i32
      %while3A_29 = arith.constant 0 : i32
      %while3A_30 = arith.subi %select_n3A, %while3A_29 : i32
      %while3A_31 = arith.addi %while3A_29, %while3A_30 : i32
      %while3A_32 = arith.constant 1 : i32
      %while3A_33 = arith.divsi %while3A_30, %while3A_32 : i32
      %while3A_34 = arith.muli %while3A_33, %while3A_32 : i32
      %while3A_35 = arith.addi %while3A_29, %while3A_34 : i32
      %while3A_36 = arith.constant 1 : i32
      scf.for %while3A_43 = %while3A_29 to %while3A_35 step %while3A_36  : i32 {
        %mul3A_44 = arith.constant 2 : i32
        %mul3A_45 = arith.muli %mul3A_44, %while3A_43 : i32
        %add3A = arith.constant 1 : i32
        %add3A_46 = arith.addi %mul3A_45, %add3A : i32
        %gt3A = arith.constant 0 : i32
        %gt3A_47 = arith.cmpi sgt, %while3A_43, %gt3A : i32
        %convert_element_type3A_48 = arith.extui %gt3A_47 : i1 to i32
        %cond3A_49 = arith.constant 0 : i32
        %cond3A_50 = arith.cmpi ne, %convert_element_type3A_48, %cond3A_49 : i32
        scf.if %cond3A_50 {
          %dma_wait3A_109 = arith.constant 0 : i32
          %dma_wait3A_110 = arith.constant 0 : i32
          %dma_wait3A_111 = tpu.memref_slice %arg13[%dma_wait3A_109, %dma_wait3A_110] : memref<10000x128xf32, #tpu.memory_space<vmem_shared>> -> memref<10000x128xf32, #tpu.memory_space<vmem_shared>>
          tpu.wait_indirect_dma semaphore(%arg16 : memref<!tpu.dma_semaphore, #tpu.memory_space<semaphore_mem>>) src(%arg11 : memref<128x128xf32, #tpu.memory_space<vmem>>) dst(%dma_wait3A_111 : memref<10000x128xf32, #tpu.memory_space<vmem_shared>>)
        } else {
        }
        %add3A_51 = arith.addi %mul3A_0, %mul3A_45 : i32
        %mul3A_52 = arith.constant 128 : i32
        %mul3A_53 = arith.muli %add3A_51, %mul3A_52 : i32
        %dma_start3A = tpu.memref_slice %arg4[%mul3A_53] : memref<320000xi32, #tpu.memory_space<hbm>> -> memref<128xi32, #tpu.memory_space<hbm>>
        %dma_start3A_54 = tpu.memref_slice %arg4[%mul3A_53] : memref<320000xi32, #tpu.memory_space<hbm>> -> memref<128xi32, #tpu.memory_space<hbm>>
        tpu.enqueue_dma source(%dma_start3A_54 : memref<128xi32, #tpu.memory_space<hbm>>) target(%arg9 : memref<128xi32, #tpu.memory_space<vmem>>) target_semaphore(%arg14 : memref<!tpu.dma_semaphore, #tpu.memory_space<semaphore_mem>>)
        %add3A_55 = arith.addi %mul3A_0, %mul3A_45 : i32
        %mul3A_56 = arith.constant 128 : i32
        %mul3A_57 = arith.muli %add3A_55, %mul3A_56 : i32
        %dma_start3A_58 = arith.constant 0 : i32
        %dma_start3A_59 = tpu.memref_slice %arg2[%mul3A_57, %dma_start3A_58] : memref<320000x128xf32, #tpu.memory_space<hbm>> -> memref<128x128xf32, #tpu.memory_space<hbm>>
        %dma_start3A_60 = arith.constant 0 : i32
        %dma_start3A_61 = tpu.memref_slice %arg2[%mul3A_57, %dma_start3A_60] : memref<320000x128xf32, #tpu.memory_space<hbm>> -> memref<128x128xf32, #tpu.memory_space<hbm>>
        tpu.enqueue_dma source(%dma_start3A_61 : memref<128x128xf32, #tpu.memory_space<hbm>>) target(%arg11 : memref<128x128xf32, #tpu.memory_space<vmem>>) target_semaphore(%arg14 : memref<!tpu.dma_semaphore, #tpu.memory_space<semaphore_mem>>)
        %gt3A_62 = arith.constant 0 : i32
        %gt3A_63 = arith.cmpi sgt, %while3A_43, %gt3A_62 : i32
        %convert_element_type3A_64 = arith.extui %gt3A_63 : i1 to i32
        %cond3A_65 = arith.constant 0 : i32
        %cond3A_66 = arith.cmpi ne, %convert_element_type3A_64, %cond3A_65 : i32
        scf.if %cond3A_66 {
          %dma_wait3A_109 = arith.constant 0 : i32
          %dma_wait3A_110 = arith.constant 0 : i32
          %dma_wait3A_111 = tpu.memref_slice %arg13[%dma_wait3A_109, %dma_wait3A_110] : memref<10000x128xf32, #tpu.memory_space<vmem_shared>> -> memref<10000x128xf32, #tpu.memory_space<vmem_shared>>
          tpu.wait_indirect_dma semaphore(%arg17 : memref<!tpu.dma_semaphore, #tpu.memory_space<semaphore_mem>>) src(%arg11 : memref<128x128xf32, #tpu.memory_space<vmem>>) dst(%dma_wait3A_111 : memref<10000x128xf32, #tpu.memory_space<vmem_shared>>)
        } else {
        }
        %add3A_67 = arith.addi %mul3A_0, %add3A_46 : i32
        %mul3A_68 = arith.constant 128 : i32
        %mul3A_69 = arith.muli %add3A_67, %mul3A_68 : i32
        %dma_start3A_70 = tpu.memref_slice %arg4[%mul3A_69] : memref<320000xi32, #tpu.memory_space<hbm>> -> memref<128xi32, #tpu.memory_space<hbm>>
        %dma_start3A_71 = tpu.memref_slice %arg4[%mul3A_69] : memref<320000xi32, #tpu.memory_space<hbm>> -> memref<128xi32, #tpu.memory_space<hbm>>
        tpu.enqueue_dma source(%dma_start3A_71 : memref<128xi32, #tpu.memory_space<hbm>>) target(%arg10 : memref<128xi32, #tpu.memory_space<vmem>>) target_semaphore(%arg15 : memref<!tpu.dma_semaphore, #tpu.memory_space<semaphore_mem>>)
        %add3A_72 = arith.addi %mul3A_0, %add3A_46 : i32
        %mul3A_73 = arith.constant 128 : i32
        %mul3A_74 = arith.muli %add3A_72, %mul3A_73 : i32
        %dma_start3A_75 = arith.constant 0 : i32
        %dma_start3A_76 = tpu.memref_slice %arg2[%mul3A_74, %dma_start3A_75] : memref<320000x128xf32, #tpu.memory_space<hbm>> -> memref<128x128xf32, #tpu.memory_space<hbm>>
        %dma_start3A_77 = arith.constant 0 : i32
        %dma_start3A_78 = tpu.memref_slice %arg2[%mul3A_74, %dma_start3A_77] : memref<320000x128xf32, #tpu.memory_space<hbm>> -> memref<128x128xf32, #tpu.memory_space<hbm>>
        tpu.enqueue_dma source(%dma_start3A_78 : memref<128x128xf32, #tpu.memory_space<hbm>>) target(%arg12 : memref<128x128xf32, #tpu.memory_space<vmem>>) target_semaphore(%arg15 : memref<!tpu.dma_semaphore, #tpu.memory_space<semaphore_mem>>)
        %add3A_79 = arith.addi %mul3A_0, %mul3A_45 : i32
        %mul3A_80 = arith.constant 128 : i32
        %mul3A_81 = arith.muli %add3A_79, %mul3A_80 : i32
        %dma_wait3A_82 = tpu.memref_slice %arg4[%mul3A_81] : memref<320000xi32, #tpu.memory_space<hbm>> -> memref<128xi32, #tpu.memory_space<hbm>>
        %dma_wait3A_83 = tpu.memref_slice %arg4[%mul3A_81] : memref<320000xi32, #tpu.memory_space<hbm>> -> memref<128xi32, #tpu.memory_space<hbm>>
        tpu.wait_dma2 semaphore(%arg14 : memref<!tpu.dma_semaphore, #tpu.memory_space<semaphore_mem>>) src(%dma_wait3A_83 : memref<128xi32, #tpu.memory_space<hbm>>) dst(%arg9 : memref<128xi32, #tpu.memory_space<vmem>>)
        %add3A_84 = arith.addi %mul3A_0, %mul3A_45 : i32
        %mul3A_85 = arith.constant 128 : i32
        %mul3A_86 = arith.muli %add3A_84, %mul3A_85 : i32
        %dma_wait3A_87 = arith.constant 0 : i32
        %dma_wait3A_88 = tpu.memref_slice %arg2[%mul3A_86, %dma_wait3A_87] : memref<320000x128xf32, #tpu.memory_space<hbm>> -> memref<128x128xf32, #tpu.memory_space<hbm>>
        %dma_wait3A_89 = arith.constant 0 : i32
        %dma_wait3A_90 = tpu.memref_slice %arg2[%mul3A_86, %dma_wait3A_89] : memref<320000x128xf32, #tpu.memory_space<hbm>> -> memref<128x128xf32, #tpu.memory_space<hbm>>
        tpu.wait_dma2 semaphore(%arg14 : memref<!tpu.dma_semaphore, #tpu.memory_space<semaphore_mem>>) src(%dma_wait3A_90 : memref<128x128xf32, #tpu.memory_space<hbm>>) dst(%arg11 : memref<128x128xf32, #tpu.memory_space<vmem>>)
        %dma_start3A_91 = arith.constant 0 : i32
        %dma_start3A_92 = arith.constant 0 : i32
        %dma_start3A_93 = tpu.memref_slice %arg13[%dma_start3A_91, %dma_start3A_92] : memref<10000x128xf32, #tpu.memory_space<vmem_shared>> -> memref<10000x128xf32, #tpu.memory_space<vmem_shared>>
        tpu.enqueue_indirect_dma source(%arg11 : memref<128x128xf32, #tpu.memory_space<vmem>>) target(%dma_start3A_93 : memref<10000x128xf32, #tpu.memory_space<vmem_shared>>) offsets(%arg9 : memref<128xi32, #tpu.memory_space<vmem>>) semaphore(%arg16 : memref<!tpu.dma_semaphore, #tpu.memory_space<semaphore_mem>>) {add = true}
        %add3A_94 = arith.addi %mul3A_0, %add3A_46 : i32
        %mul3A_95 = arith.constant 128 : i32
        %mul3A_96 = arith.muli %add3A_94, %mul3A_95 : i32
        %dma_wait3A_97 = tpu.memref_slice %arg4[%mul3A_96] : memref<320000xi32, #tpu.memory_space<hbm>> -> memref<128xi32, #tpu.memory_space<hbm>>
        %dma_wait3A_98 = tpu.memref_slice %arg4[%mul3A_96] : memref<320000xi32, #tpu.memory_space<hbm>> -> memref<128xi32, #tpu.memory_space<hbm>>
        tpu.wait_dma2 semaphore(%arg15 : memref<!tpu.dma_semaphore, #tpu.memory_space<semaphore_mem>>) src(%dma_wait3A_98 : memref<128xi32, #tpu.memory_space<hbm>>) dst(%arg10 : memref<128xi32, #tpu.memory_space<vmem>>)
        %add3A_99 = arith.addi %mul3A_0, %add3A_46 : i32
        %mul3A_100 = arith.constant 128 : i32
        %mul3A_101 = arith.muli %add3A_99, %mul3A_100 : i32
        %dma_wait3A_102 = arith.constant 0 : i32
        %dma_wait3A_103 = tpu.memref_slice %arg2[%mul3A_101, %dma_wait3A_102] : memref<320000x128xf32, #tpu.memory_space<hbm>> -> memref<128x128xf32, #tpu.memory_space<hbm>>
        %dma_wait3A_104 = arith.constant 0 : i32
        %dma_wait3A_105 = tpu.memref_slice %arg2[%mul3A_101, %dma_wait3A_104] : memref<320000x128xf32, #tpu.memory_space<hbm>> -> memref<128x128xf32, #tpu.memory_space<hbm>>
        tpu.wait_dma2 semaphore(%arg15 : memref<!tpu.dma_semaphore, #tpu.memory_space<semaphore_mem>>) src(%dma_wait3A_105 : memref<128x128xf32, #tpu.memory_space<hbm>>) dst(%arg12 : memref<128x128xf32, #tpu.memory_space<vmem>>)
        %dma_start3A_106 = arith.constant 0 : i32
        %dma_start3A_107 = arith.constant 0 : i32
        %dma_start3A_108 = tpu.memref_slice %arg13[%dma_start3A_106, %dma_start3A_107] : memref<10000x128xf32, #tpu.memory_space<vmem_shared>> -> memref<10000x128xf32, #tpu.memory_space<vmem_shared>>
        tpu.enqueue_indirect_dma source(%arg12 : memref<128x128xf32, #tpu.memory_space<vmem>>) target(%dma_start3A_108 : memref<10000x128xf32, #tpu.memory_space<vmem_shared>>) offsets(%arg10 : memref<128xi32, #tpu.memory_space<vmem>>) semaphore(%arg17 : memref<!tpu.dma_semaphore, #tpu.memory_space<semaphore_mem>>) {add = true}
      }
      %while3A_37 = arith.constant 1 : i32
      scf.for %while3A_43 = %while3A_35 to %while3A_31 step %while3A_37  : i32 {
        %mul3A_44 = arith.constant 2 : i32
        %mul3A_45 = arith.muli %mul3A_44, %while3A_43 : i32
        %add3A = arith.constant 1 : i32
        %add3A_46 = arith.addi %mul3A_45, %add3A : i32
        %gt3A = arith.constant 0 : i32
        %gt3A_47 = arith.cmpi sgt, %while3A_43, %gt3A : i32
        %convert_element_type3A_48 = arith.extui %gt3A_47 : i1 to i32
        %cond3A_49 = arith.constant 0 : i32
        %cond3A_50 = arith.cmpi ne, %convert_element_type3A_48, %cond3A_49 : i32
        scf.if %cond3A_50 {
          %dma_wait3A_109 = arith.constant 0 : i32
          %dma_wait3A_110 = arith.constant 0 : i32
          %dma_wait3A_111 = tpu.memref_slice %arg13[%dma_wait3A_109, %dma_wait3A_110] : memref<10000x128xf32, #tpu.memory_space<vmem_shared>> -> memref<10000x128xf32, #tpu.memory_space<vmem_shared>>
          tpu.wait_indirect_dma semaphore(%arg16 : memref<!tpu.dma_semaphore, #tpu.memory_space<semaphore_mem>>) src(%arg11 : memref<128x128xf32, #tpu.memory_space<vmem>>) dst(%dma_wait3A_111 : memref<10000x128xf32, #tpu.memory_space<vmem_shared>>)
        } else {
        }
        %add3A_51 = arith.addi %mul3A_0, %mul3A_45 : i32
        %mul3A_52 = arith.constant 128 : i32
        %mul3A_53 = arith.muli %add3A_51, %mul3A_52 : i32
        %dma_start3A = tpu.memref_slice %arg4[%mul3A_53] : memref<320000xi32, #tpu.memory_space<hbm>> -> memref<128xi32, #tpu.memory_space<hbm>>
        %dma_start3A_54 = tpu.memref_slice %arg4[%mul3A_53] : memref<320000xi32, #tpu.memory_space<hbm>> -> memref<128xi32, #tpu.memory_space<hbm>>
        tpu.enqueue_dma source(%dma_start3A_54 : memref<128xi32, #tpu.memory_space<hbm>>) target(%arg9 : memref<128xi32, #tpu.memory_space<vmem>>) target_semaphore(%arg14 : memref<!tpu.dma_semaphore, #tpu.memory_space<semaphore_mem>>)
        %add3A_55 = arith.addi %mul3A_0, %mul3A_45 : i32
        %mul3A_56 = arith.constant 128 : i32
        %mul3A_57 = arith.muli %add3A_55, %mul3A_56 : i32
        %dma_start3A_58 = arith.constant 0 : i32
        %dma_start3A_59 = tpu.memref_slice %arg2[%mul3A_57, %dma_start3A_58] : memref<320000x128xf32, #tpu.memory_space<hbm>> -> memref<128x128xf32, #tpu.memory_space<hbm>>
        %dma_start3A_60 = arith.constant 0 : i32
        %dma_start3A_61 = tpu.memref_slice %arg2[%mul3A_57, %dma_start3A_60] : memref<320000x128xf32, #tpu.memory_space<hbm>> -> memref<128x128xf32, #tpu.memory_space<hbm>>
        tpu.enqueue_dma source(%dma_start3A_61 : memref<128x128xf32, #tpu.memory_space<hbm>>) target(%arg11 : memref<128x128xf32, #tpu.memory_space<vmem>>) target_semaphore(%arg14 : memref<!tpu.dma_semaphore, #tpu.memory_space<semaphore_mem>>)
        %gt3A_62 = arith.constant 0 : i32
        %gt3A_63 = arith.cmpi sgt, %while3A_43, %gt3A_62 : i32
        %convert_element_type3A_64 = arith.extui %gt3A_63 : i1 to i32
        %cond3A_65 = arith.constant 0 : i32
        %cond3A_66 = arith.cmpi ne, %convert_element_type3A_64, %cond3A_65 : i32
        scf.if %cond3A_66 {
          %dma_wait3A_109 = arith.constant 0 : i32
          %dma_wait3A_110 = arith.constant 0 : i32
          %dma_wait3A_111 = tpu.memref_slice %arg13[%dma_wait3A_109, %dma_wait3A_110] : memref<10000x128xf32, #tpu.memory_space<vmem_shared>> -> memref<10000x128xf32, #tpu.memory_space<vmem_shared>>
          tpu.wait_indirect_dma semaphore(%arg17 : memref<!tpu.dma_semaphore, #tpu.memory_space<semaphore_mem>>) src(%arg11 : memref<128x128xf32, #tpu.memory_space<vmem>>) dst(%dma_wait3A_111 : memref<10000x128xf32, #tpu.memory_space<vmem_shared>>)
        } else {
        }
        %add3A_67 = arith.addi %mul3A_0, %add3A_46 : i32
        %mul3A_68 = arith.constant 128 : i32
        %mul3A_69 = arith.muli %add3A_67, %mul3A_68 : i32
        %dma_start3A_70 = tpu.memref_slice %arg4[%mul3A_69] : memref<320000xi32, #tpu.memory_space<hbm>> -> memref<128xi32, #tpu.memory_space<hbm>>
        %dma_start3A_71 = tpu.memref_slice %arg4[%mul3A_69] : memref<320000xi32, #tpu.memory_space<hbm>> -> memref<128xi32, #tpu.memory_space<hbm>>
        tpu.enqueue_dma source(%dma_start3A_71 : memref<128xi32, #tpu.memory_space<hbm>>) target(%arg10 : memref<128xi32, #tpu.memory_space<vmem>>) target_semaphore(%arg15 : memref<!tpu.dma_semaphore, #tpu.memory_space<semaphore_mem>>)
        %add3A_72 = arith.addi %mul3A_0, %add3A_46 : i32
        %mul3A_73 = arith.constant 128 : i32
        %mul3A_74 = arith.muli %add3A_72, %mul3A_73 : i32
        %dma_start3A_75 = arith.constant 0 : i32
        %dma_start3A_76 = tpu.memref_slice %arg2[%mul3A_74, %dma_start3A_75] : memref<320000x128xf32, #tpu.memory_space<hbm>> -> memref<128x128xf32, #tpu.memory_space<hbm>>
        %dma_start3A_77 = arith.constant 0 : i32
        %dma_start3A_78 = tpu.memref_slice %arg2[%mul3A_74, %dma_start3A_77] : memref<320000x128xf32, #tpu.memory_space<hbm>> -> memref<128x128xf32, #tpu.memory_space<hbm>>
        tpu.enqueue_dma source(%dma_start3A_78 : memref<128x128xf32, #tpu.memory_space<hbm>>) target(%arg12 : memref<128x128xf32, #tpu.memory_space<vmem>>) target_semaphore(%arg15 : memref<!tpu.dma_semaphore, #tpu.memory_space<semaphore_mem>>)
        %add3A_79 = arith.addi %mul3A_0, %mul3A_45 : i32
        %mul3A_80 = arith.constant 128 : i32
        %mul3A_81 = arith.muli %add3A_79, %mul3A_80 : i32
        %dma_wait3A_82 = tpu.memref_slice %arg4[%mul3A_81] : memref<320000xi32, #tpu.memory_space<hbm>> -> memref<128xi32, #tpu.memory_space<hbm>>
        %dma_wait3A_83 = tpu.memref_slice %arg4[%mul3A_81] : memref<320000xi32, #tpu.memory_space<hbm>> -> memref<128xi32, #tpu.memory_space<hbm>>
        tpu.wait_dma2 semaphore(%arg14 : memref<!tpu.dma_semaphore, #tpu.memory_space<semaphore_mem>>) src(%dma_wait3A_83 : memref<128xi32, #tpu.memory_space<hbm>>) dst(%arg9 : memref<128xi32, #tpu.memory_space<vmem>>)
        %add3A_84 = arith.addi %mul3A_0, %mul3A_45 : i32
        %mul3A_85 = arith.constant 128 : i32
        %mul3A_86 = arith.muli %add3A_84, %mul3A_85 : i32
        %dma_wait3A_87 = arith.constant 0 : i32
        %dma_wait3A_88 = tpu.memref_slice %arg2[%mul3A_86, %dma_wait3A_87] : memref<320000x128xf32, #tpu.memory_space<hbm>> -> memref<128x128xf32, #tpu.memory_space<hbm>>
        %dma_wait3A_89 = arith.constant 0 : i32
        %dma_wait3A_90 = tpu.memref_slice %arg2[%mul3A_86, %dma_wait3A_89] : memref<320000x128xf32, #tpu.memory_space<hbm>> -> memref<128x128xf32, #tpu.memory_space<hbm>>
        tpu.wait_dma2 semaphore(%arg14 : memref<!tpu.dma_semaphore, #tpu.memory_space<semaphore_mem>>) src(%dma_wait3A_90 : memref<128x128xf32, #tpu.memory_space<hbm>>) dst(%arg11 : memref<128x128xf32, #tpu.memory_space<vmem>>)
        %dma_start3A_91 = arith.constant 0 : i32
        %dma_start3A_92 = arith.constant 0 : i32
        %dma_start3A_93 = tpu.memref_slice %arg13[%dma_start3A_91, %dma_start3A_92] : memref<10000x128xf32, #tpu.memory_space<vmem_shared>> -> memref<10000x128xf32, #tpu.memory_space<vmem_shared>>
        tpu.enqueue_indirect_dma source(%arg11 : memref<128x128xf32, #tpu.memory_space<vmem>>) target(%dma_start3A_93 : memref<10000x128xf32, #tpu.memory_space<vmem_shared>>) offsets(%arg9 : memref<128xi32, #tpu.memory_space<vmem>>) semaphore(%arg16 : memref<!tpu.dma_semaphore, #tpu.memory_space<semaphore_mem>>) {add = true}
        %add3A_94 = arith.addi %mul3A_0, %add3A_46 : i32
        %mul3A_95 = arith.constant 128 : i32
        %mul3A_96 = arith.muli %add3A_94, %mul3A_95 : i32
        %dma_wait3A_97 = tpu.memref_slice %arg4[%mul3A_96] : memref<320000xi32, #tpu.memory_space<hbm>> -> memref<128xi32, #tpu.memory_space<hbm>>
        %dma_wait3A_98 = tpu.memref_slice %arg4[%mul3A_96] : memref<320000xi32, #tpu.memory_space<hbm>> -> memref<128xi32, #tpu.memory_space<hbm>>
        tpu.wait_dma2 semaphore(%arg15 : memref<!tpu.dma_semaphore, #tpu.memory_space<semaphore_mem>>) src(%dma_wait3A_98 : memref<128xi32, #tpu.memory_space<hbm>>) dst(%arg10 : memref<128xi32, #tpu.memory_space<vmem>>)
        %add3A_99 = arith.addi %mul3A_0, %add3A_46 : i32
        %mul3A_100 = arith.constant 128 : i32
        %mul3A_101 = arith.muli %add3A_99, %mul3A_100 : i32
        %dma_wait3A_102 = arith.constant 0 : i32
        %dma_wait3A_103 = tpu.memref_slice %arg2[%mul3A_101, %dma_wait3A_102] : memref<320000x128xf32, #tpu.memory_space<hbm>> -> memref<128x128xf32, #tpu.memory_space<hbm>>
        %dma_wait3A_104 = arith.constant 0 : i32
        %dma_wait3A_105 = tpu.memref_slice %arg2[%mul3A_101, %dma_wait3A_104] : memref<320000x128xf32, #tpu.memory_space<hbm>> -> memref<128x128xf32, #tpu.memory_space<hbm>>
        tpu.wait_dma2 semaphore(%arg15 : memref<!tpu.dma_semaphore, #tpu.memory_space<semaphore_mem>>) src(%dma_wait3A_105 : memref<128x128xf32, #tpu.memory_space<hbm>>) dst(%arg12 : memref<128x128xf32, #tpu.memory_space<vmem>>)
        %dma_start3A_106 = arith.constant 0 : i32
        %dma_start3A_107 = arith.constant 0 : i32
        %dma_start3A_108 = tpu.memref_slice %arg13[%dma_start3A_106, %dma_start3A_107] : memref<10000x128xf32, #tpu.memory_space<vmem_shared>> -> memref<10000x128xf32, #tpu.memory_space<vmem_shared>>
        tpu.enqueue_indirect_dma source(%arg12 : memref<128x128xf32, #tpu.memory_space<vmem>>) target(%dma_start3A_108 : memref<10000x128xf32, #tpu.memory_space<vmem_shared>>) offsets(%arg10 : memref<128xi32, #tpu.memory_space<vmem>>) semaphore(%arg17 : memref<!tpu.dma_semaphore, #tpu.memory_space<semaphore_mem>>) {add = true}
      }
      %dma_wait3A = arith.constant 0 : i32
      %dma_wait3A_38 = arith.constant 0 : i32
      %dma_wait3A_39 = tpu.memref_slice %arg13[%dma_wait3A, %dma_wait3A_38] : memref<10000x128xf32, #tpu.memory_space<vmem_shared>> -> memref<10000x128xf32, #tpu.memory_space<vmem_shared>>
      tpu.wait_indirect_dma semaphore(%arg16 : memref<!tpu.dma_semaphore, #tpu.memory_space<semaphore_mem>>) src(%arg11 : memref<128x128xf32, #tpu.memory_space<vmem>>) dst(%dma_wait3A_39 : memref<10000x128xf32, #tpu.memory_space<vmem_shared>>)
      %dma_wait3A_40 = arith.constant 0 : i32
      %dma_wait3A_41 = arith.constant 0 : i32
      %dma_wait3A_42 = tpu.memref_slice %arg13[%dma_wait3A_40, %dma_wait3A_41] : memref<10000x128xf32, #tpu.memory_space<vmem_shared>> -> memref<10000x128xf32, #tpu.memory_space<vmem_shared>>
      tpu.wait_indirect_dma semaphore(%arg17 : memref<!tpu.dma_semaphore, #tpu.memory_space<semaphore_mem>>) src(%arg11 : memref<128x128xf32, #tpu.memory_space<vmem>>) dst(%dma_wait3A_42 : memref<10000x128xf32, #tpu.memory_space<vmem_shared>>)
    } else {
    }
    %eq3A_13 = arith.constant 1 : i32
    %eq3A_14 = arith.cmpi eq, %arg0, %eq3A_13 : i32
    %convert_element_type3A_15 = arith.extui %eq3A_14 : i1 to i32
    %cond3A_16 = arith.constant 0 : i32
    %cond3A_17 = arith.cmpi ne, %convert_element_type3A_15, %cond3A_16 : i32
    scf.if %cond3A_17 {
      %while3A = arith.constant 0 : i32
      %while3A_29 = arith.constant 0 : i32
      %while3A_30 = arith.subi %select_n3A, %while3A_29 : i32
      %while3A_31 = arith.addi %while3A_29, %while3A_30 : i32
      %while3A_32 = arith.constant 1 : i32
      %while3A_33 = arith.divsi %while3A_30, %while3A_32 : i32
      %while3A_34 = arith.muli %while3A_33, %while3A_32 : i32
      %while3A_35 = arith.addi %while3A_29, %while3A_34 : i32
      %while3A_36 = arith.constant 1 : i32
      scf.for %while3A_43 = %while3A_29 to %while3A_35 step %while3A_36  : i32 {
        %mul3A_44 = arith.constant 2 : i32
        %mul3A_45 = arith.muli %mul3A_44, %while3A_43 : i32
        %add3A = arith.constant 1 : i32
        %add3A_46 = arith.addi %mul3A_45, %add3A : i32
        %gt3A = arith.constant 0 : i32
        %gt3A_47 = arith.cmpi sgt, %while3A_43, %gt3A : i32
        %convert_element_type3A_48 = arith.extui %gt3A_47 : i1 to i32
        %cond3A_49 = arith.constant 0 : i32
        %cond3A_50 = arith.cmpi ne, %convert_element_type3A_48, %cond3A_49 : i32
        scf.if %cond3A_50 {
          %dma_wait3A_109 = arith.constant 0 : i32
          %dma_wait3A_110 = arith.constant 0 : i32
          %dma_wait3A_111 = tpu.memref_slice %arg13[%dma_wait3A_109, %dma_wait3A_110] : memref<10000x128xf32, #tpu.memory_space<vmem_shared>> -> memref<10000x128xf32, #tpu.memory_space<vmem_shared>>
          tpu.wait_indirect_dma semaphore(%arg16 : memref<!tpu.dma_semaphore, #tpu.memory_space<semaphore_mem>>) src(%arg11 : memref<128x128xf32, #tpu.memory_space<vmem>>) dst(%dma_wait3A_111 : memref<10000x128xf32, #tpu.memory_space<vmem_shared>>)
        } else {
        }
        %add3A_51 = arith.addi %mul3A_0, %mul3A_45 : i32
        %mul3A_52 = arith.constant 128 : i32
        %mul3A_53 = arith.muli %add3A_51, %mul3A_52 : i32
        %dma_start3A = tpu.memref_slice %arg5[%mul3A_53] : memref<320000xi32, #tpu.memory_space<hbm>> -> memref<128xi32, #tpu.memory_space<hbm>>
        %dma_start3A_54 = tpu.memref_slice %arg5[%mul3A_53] : memref<320000xi32, #tpu.memory_space<hbm>> -> memref<128xi32, #tpu.memory_space<hbm>>
        tpu.enqueue_dma source(%dma_start3A_54 : memref<128xi32, #tpu.memory_space<hbm>>) target(%arg9 : memref<128xi32, #tpu.memory_space<vmem>>) target_semaphore(%arg14 : memref<!tpu.dma_semaphore, #tpu.memory_space<semaphore_mem>>)
        %add3A_55 = arith.addi %mul3A_0, %mul3A_45 : i32
        %mul3A_56 = arith.constant 128 : i32
        %mul3A_57 = arith.muli %add3A_55, %mul3A_56 : i32
        %dma_start3A_58 = arith.constant 0 : i32
        %dma_start3A_59 = tpu.memref_slice %arg3[%mul3A_57, %dma_start3A_58] : memref<320000x128xf32, #tpu.memory_space<hbm>> -> memref<128x128xf32, #tpu.memory_space<hbm>>
        %dma_start3A_60 = arith.constant 0 : i32
        %dma_start3A_61 = tpu.memref_slice %arg3[%mul3A_57, %dma_start3A_60] : memref<320000x128xf32, #tpu.memory_space<hbm>> -> memref<128x128xf32, #tpu.memory_space<hbm>>
        tpu.enqueue_dma source(%dma_start3A_61 : memref<128x128xf32, #tpu.memory_space<hbm>>) target(%arg11 : memref<128x128xf32, #tpu.memory_space<vmem>>) target_semaphore(%arg14 : memref<!tpu.dma_semaphore, #tpu.memory_space<semaphore_mem>>)
        %gt3A_62 = arith.constant 0 : i32
        %gt3A_63 = arith.cmpi sgt, %while3A_43, %gt3A_62 : i32
        %convert_element_type3A_64 = arith.extui %gt3A_63 : i1 to i32
        %cond3A_65 = arith.constant 0 : i32
        %cond3A_66 = arith.cmpi ne, %convert_element_type3A_64, %cond3A_65 : i32
        scf.if %cond3A_66 {
          %dma_wait3A_109 = arith.constant 0 : i32
          %dma_wait3A_110 = arith.constant 0 : i32
          %dma_wait3A_111 = tpu.memref_slice %arg13[%dma_wait3A_109, %dma_wait3A_110] : memref<10000x128xf32, #tpu.memory_space<vmem_shared>> -> memref<10000x128xf32, #tpu.memory_space<vmem_shared>>
          tpu.wait_indirect_dma semaphore(%arg17 : memref<!tpu.dma_semaphore, #tpu.memory_space<semaphore_mem>>) src(%arg11 : memref<128x128xf32, #tpu.memory_space<vmem>>) dst(%dma_wait3A_111 : memref<10000x128xf32, #tpu.memory_space<vmem_shared>>)
        } else {
        }
        %add3A_67 = arith.addi %mul3A_0, %add3A_46 : i32
        %mul3A_68 = arith.constant 128 : i32
        %mul3A_69 = arith.muli %add3A_67, %mul3A_68 : i32
        %dma_start3A_70 = tpu.memref_slice %arg5[%mul3A_69] : memref<320000xi32, #tpu.memory_space<hbm>> -> memref<128xi32, #tpu.memory_space<hbm>>
        %dma_start3A_71 = tpu.memref_slice %arg5[%mul3A_69] : memref<320000xi32, #tpu.memory_space<hbm>> -> memref<128xi32, #tpu.memory_space<hbm>>
        tpu.enqueue_dma source(%dma_start3A_71 : memref<128xi32, #tpu.memory_space<hbm>>) target(%arg10 : memref<128xi32, #tpu.memory_space<vmem>>) target_semaphore(%arg15 : memref<!tpu.dma_semaphore, #tpu.memory_space<semaphore_mem>>)
        %add3A_72 = arith.addi %mul3A_0, %add3A_46 : i32
        %mul3A_73 = arith.constant 128 : i32
        %mul3A_74 = arith.muli %add3A_72, %mul3A_73 : i32
        %dma_start3A_75 = arith.constant 0 : i32
        %dma_start3A_76 = tpu.memref_slice %arg3[%mul3A_74, %dma_start3A_75] : memref<320000x128xf32, #tpu.memory_space<hbm>> -> memref<128x128xf32, #tpu.memory_space<hbm>>
        %dma_start3A_77 = arith.constant 0 : i32
        %dma_start3A_78 = tpu.memref_slice %arg3[%mul3A_74, %dma_start3A_77] : memref<320000x128xf32, #tpu.memory_space<hbm>> -> memref<128x128xf32, #tpu.memory_space<hbm>>
        tpu.enqueue_dma source(%dma_start3A_78 : memref<128x128xf32, #tpu.memory_space<hbm>>) target(%arg12 : memref<128x128xf32, #tpu.memory_space<vmem>>) target_semaphore(%arg15 : memref<!tpu.dma_semaphore, #tpu.memory_space<semaphore_mem>>)
        %add3A_79 = arith.addi %mul3A_0, %mul3A_45 : i32
        %mul3A_80 = arith.constant 128 : i32
        %mul3A_81 = arith.muli %add3A_79, %mul3A_80 : i32
        %dma_wait3A_82 = tpu.memref_slice %arg5[%mul3A_81] : memref<320000xi32, #tpu.memory_space<hbm>> -> memref<128xi32, #tpu.memory_space<hbm>>
        %dma_wait3A_83 = tpu.memref_slice %arg5[%mul3A_81] : memref<320000xi32, #tpu.memory_space<hbm>> -> memref<128xi32, #tpu.memory_space<hbm>>
        tpu.wait_dma2 semaphore(%arg14 : memref<!tpu.dma_semaphore, #tpu.memory_space<semaphore_mem>>) src(%dma_wait3A_83 : memref<128xi32, #tpu.memory_space<hbm>>) dst(%arg9 : memref<128xi32, #tpu.memory_space<vmem>>)
        %add3A_84 = arith.addi %mul3A_0, %mul3A_45 : i32
        %mul3A_85 = arith.constant 128 : i32
        %mul3A_86 = arith.muli %add3A_84, %mul3A_85 : i32
        %dma_wait3A_87 = arith.constant 0 : i32
        %dma_wait3A_88 = tpu.memref_slice %arg3[%mul3A_86, %dma_wait3A_87] : memref<320000x128xf32, #tpu.memory_space<hbm>> -> memref<128x128xf32, #tpu.memory_space<hbm>>
        %dma_wait3A_89 = arith.constant 0 : i32
        %dma_wait3A_90 = tpu.memref_slice %arg3[%mul3A_86, %dma_wait3A_89] : memref<320000x128xf32, #tpu.memory_space<hbm>> -> memref<128x128xf32, #tpu.memory_space<hbm>>
        tpu.wait_dma2 semaphore(%arg14 : memref<!tpu.dma_semaphore, #tpu.memory_space<semaphore_mem>>) src(%dma_wait3A_90 : memref<128x128xf32, #tpu.memory_space<hbm>>) dst(%arg11 : memref<128x128xf32, #tpu.memory_space<vmem>>)
        %dma_start3A_91 = arith.constant 0 : i32
        %dma_start3A_92 = arith.constant 0 : i32
        %dma_start3A_93 = tpu.memref_slice %arg13[%dma_start3A_91, %dma_start3A_92] : memref<10000x128xf32, #tpu.memory_space<vmem_shared>> -> memref<10000x128xf32, #tpu.memory_space<vmem_shared>>
        tpu.enqueue_indirect_dma source(%arg11 : memref<128x128xf32, #tpu.memory_space<vmem>>) target(%dma_start3A_93 : memref<10000x128xf32, #tpu.memory_space<vmem_shared>>) offsets(%arg9 : memref<128xi32, #tpu.memory_space<vmem>>) semaphore(%arg16 : memref<!tpu.dma_semaphore, #tpu.memory_space<semaphore_mem>>) {add = true}
        %add3A_94 = arith.addi %mul3A_0, %add3A_46 : i32
        %mul3A_95 = arith.constant 128 : i32
        %mul3A_96 = arith.muli %add3A_94, %mul3A_95 : i32
        %dma_wait3A_97 = tpu.memref_slice %arg5[%mul3A_96] : memref<320000xi32, #tpu.memory_space<hbm>> -> memref<128xi32, #tpu.memory_space<hbm>>
        %dma_wait3A_98 = tpu.memref_slice %arg5[%mul3A_96] : memref<320000xi32, #tpu.memory_space<hbm>> -> memref<128xi32, #tpu.memory_space<hbm>>
        tpu.wait_dma2 semaphore(%arg15 : memref<!tpu.dma_semaphore, #tpu.memory_space<semaphore_mem>>) src(%dma_wait3A_98 : memref<128xi32, #tpu.memory_space<hbm>>) dst(%arg10 : memref<128xi32, #tpu.memory_space<vmem>>)
        %add3A_99 = arith.addi %mul3A_0, %add3A_46 : i32
        %mul3A_100 = arith.constant 128 : i32
        %mul3A_101 = arith.muli %add3A_99, %mul3A_100 : i32
        %dma_wait3A_102 = arith.constant 0 : i32
        %dma_wait3A_103 = tpu.memref_slice %arg3[%mul3A_101, %dma_wait3A_102] : memref<320000x128xf32, #tpu.memory_space<hbm>> -> memref<128x128xf32, #tpu.memory_space<hbm>>
        %dma_wait3A_104 = arith.constant 0 : i32
        %dma_wait3A_105 = tpu.memref_slice %arg3[%mul3A_101, %dma_wait3A_104] : memref<320000x128xf32, #tpu.memory_space<hbm>> -> memref<128x128xf32, #tpu.memory_space<hbm>>
        tpu.wait_dma2 semaphore(%arg15 : memref<!tpu.dma_semaphore, #tpu.memory_space<semaphore_mem>>) src(%dma_wait3A_105 : memref<128x128xf32, #tpu.memory_space<hbm>>) dst(%arg12 : memref<128x128xf32, #tpu.memory_space<vmem>>)
        %dma_start3A_106 = arith.constant 0 : i32
        %dma_start3A_107 = arith.constant 0 : i32
        %dma_start3A_108 = tpu.memref_slice %arg13[%dma_start3A_106, %dma_start3A_107] : memref<10000x128xf32, #tpu.memory_space<vmem_shared>> -> memref<10000x128xf32, #tpu.memory_space<vmem_shared>>
        tpu.enqueue_indirect_dma source(%arg12 : memref<128x128xf32, #tpu.memory_space<vmem>>) target(%dma_start3A_108 : memref<10000x128xf32, #tpu.memory_space<vmem_shared>>) offsets(%arg10 : memref<128xi32, #tpu.memory_space<vmem>>) semaphore(%arg17 : memref<!tpu.dma_semaphore, #tpu.memory_space<semaphore_mem>>) {add = true}
      }
      %while3A_37 = arith.constant 1 : i32
      scf.for %while3A_43 = %while3A_35 to %while3A_31 step %while3A_37  : i32 {
        %mul3A_44 = arith.constant 2 : i32
        %mul3A_45 = arith.muli %mul3A_44, %while3A_43 : i32
        %add3A = arith.constant 1 : i32
        %add3A_46 = arith.addi %mul3A_45, %add3A : i32
        %gt3A = arith.constant 0 : i32
        %gt3A_47 = arith.cmpi sgt, %while3A_43, %gt3A : i32
        %convert_element_type3A_48 = arith.extui %gt3A_47 : i1 to i32
        %cond3A_49 = arith.constant 0 : i32
        %cond3A_50 = arith.cmpi ne, %convert_element_type3A_48, %cond3A_49 : i32
        scf.if %cond3A_50 {
          %dma_wait3A_109 = arith.constant 0 : i32
          %dma_wait3A_110 = arith.constant 0 : i32
          %dma_wait3A_111 = tpu.memref_slice %arg13[%dma_wait3A_109, %dma_wait3A_110] : memref<10000x128xf32, #tpu.memory_space<vmem_shared>> -> memref<10000x128xf32, #tpu.memory_space<vmem_shared>>
          tpu.wait_indirect_dma semaphore(%arg16 : memref<!tpu.dma_semaphore, #tpu.memory_space<semaphore_mem>>) src(%arg11 : memref<128x128xf32, #tpu.memory_space<vmem>>) dst(%dma_wait3A_111 : memref<10000x128xf32, #tpu.memory_space<vmem_shared>>)
        } else {
        }
        %add3A_51 = arith.addi %mul3A_0, %mul3A_45 : i32
        %mul3A_52 = arith.constant 128 : i32
        %mul3A_53 = arith.muli %add3A_51, %mul3A_52 : i32
        %dma_start3A = tpu.memref_slice %arg5[%mul3A_53] : memref<320000xi32, #tpu.memory_space<hbm>> -> memref<128xi32, #tpu.memory_space<hbm>>
        %dma_start3A_54 = tpu.memref_slice %arg5[%mul3A_53] : memref<320000xi32, #tpu.memory_space<hbm>> -> memref<128xi32, #tpu.memory_space<hbm>>
        tpu.enqueue_dma source(%dma_start3A_54 : memref<128xi32, #tpu.memory_space<hbm>>) target(%arg9 : memref<128xi32, #tpu.memory_space<vmem>>) target_semaphore(%arg14 : memref<!tpu.dma_semaphore, #tpu.memory_space<semaphore_mem>>)
        %add3A_55 = arith.addi %mul3A_0, %mul3A_45 : i32
        %mul3A_56 = arith.constant 128 : i32
        %mul3A_57 = arith.muli %add3A_55, %mul3A_56 : i32
        %dma_start3A_58 = arith.constant 0 : i32
        %dma_start3A_59 = tpu.memref_slice %arg3[%mul3A_57, %dma_start3A_58] : memref<320000x128xf32, #tpu.memory_space<hbm>> -> memref<128x128xf32, #tpu.memory_space<hbm>>
        %dma_start3A_60 = arith.constant 0 : i32
        %dma_start3A_61 = tpu.memref_slice %arg3[%mul3A_57, %dma_start3A_60] : memref<320000x128xf32, #tpu.memory_space<hbm>> -> memref<128x128xf32, #tpu.memory_space<hbm>>
        tpu.enqueue_dma source(%dma_start3A_61 : memref<128x128xf32, #tpu.memory_space<hbm>>) target(%arg11 : memref<128x128xf32, #tpu.memory_space<vmem>>) target_semaphore(%arg14 : memref<!tpu.dma_semaphore, #tpu.memory_space<semaphore_mem>>)
        %gt3A_62 = arith.constant 0 : i32
        %gt3A_63 = arith.cmpi sgt, %while3A_43, %gt3A_62 : i32
        %convert_element_type3A_64 = arith.extui %gt3A_63 : i1 to i32
        %cond3A_65 = arith.constant 0 : i32
        %cond3A_66 = arith.cmpi ne, %convert_element_type3A_64, %cond3A_65 : i32
        scf.if %cond3A_66 {
          %dma_wait3A_109 = arith.constant 0 : i32
          %dma_wait3A_110 = arith.constant 0 : i32
          %dma_wait3A_111 = tpu.memref_slice %arg13[%dma_wait3A_109, %dma_wait3A_110] : memref<10000x128xf32, #tpu.memory_space<vmem_shared>> -> memref<10000x128xf32, #tpu.memory_space<vmem_shared>>
          tpu.wait_indirect_dma semaphore(%arg17 : memref<!tpu.dma_semaphore, #tpu.memory_space<semaphore_mem>>) src(%arg11 : memref<128x128xf32, #tpu.memory_space<vmem>>) dst(%dma_wait3A_111 : memref<10000x128xf32, #tpu.memory_space<vmem_shared>>)
        } else {
        }
        %add3A_67 = arith.addi %mul3A_0, %add3A_46 : i32
        %mul3A_68 = arith.constant 128 : i32
        %mul3A_69 = arith.muli %add3A_67, %mul3A_68 : i32
        %dma_start3A_70 = tpu.memref_slice %arg5[%mul3A_69] : memref<320000xi32, #tpu.memory_space<hbm>> -> memref<128xi32, #tpu.memory_space<hbm>>
        %dma_start3A_71 = tpu.memref_slice %arg5[%mul3A_69] : memref<320000xi32, #tpu.memory_space<hbm>> -> memref<128xi32, #tpu.memory_space<hbm>>
        tpu.enqueue_dma source(%dma_start3A_71 : memref<128xi32, #tpu.memory_space<hbm>>) target(%arg10 : memref<128xi32, #tpu.memory_space<vmem>>) target_semaphore(%arg15 : memref<!tpu.dma_semaphore, #tpu.memory_space<semaphore_mem>>)
        %add3A_72 = arith.addi %mul3A_0, %add3A_46 : i32
        %mul3A_73 = arith.constant 128 : i32
        %mul3A_74 = arith.muli %add3A_72, %mul3A_73 : i32
        %dma_start3A_75 = arith.constant 0 : i32
        %dma_start3A_76 = tpu.memref_slice %arg3[%mul3A_74, %dma_start3A_75] : memref<320000x128xf32, #tpu.memory_space<hbm>> -> memref<128x128xf32, #tpu.memory_space<hbm>>
        %dma_start3A_77 = arith.constant 0 : i32
        %dma_start3A_78 = tpu.memref_slice %arg3[%mul3A_74, %dma_start3A_77] : memref<320000x128xf32, #tpu.memory_space<hbm>> -> memref<128x128xf32, #tpu.memory_space<hbm>>
        tpu.enqueue_dma source(%dma_start3A_78 : memref<128x128xf32, #tpu.memory_space<hbm>>) target(%arg12 : memref<128x128xf32, #tpu.memory_space<vmem>>) target_semaphore(%arg15 : memref<!tpu.dma_semaphore, #tpu.memory_space<semaphore_mem>>)
        %add3A_79 = arith.addi %mul3A_0, %mul3A_45 : i32
        %mul3A_80 = arith.constant 128 : i32
        %mul3A_81 = arith.muli %add3A_79, %mul3A_80 : i32
        %dma_wait3A_82 = tpu.memref_slice %arg5[%mul3A_81] : memref<320000xi32, #tpu.memory_space<hbm>> -> memref<128xi32, #tpu.memory_space<hbm>>
        %dma_wait3A_83 = tpu.memref_slice %arg5[%mul3A_81] : memref<320000xi32, #tpu.memory_space<hbm>> -> memref<128xi32, #tpu.memory_space<hbm>>
        tpu.wait_dma2 semaphore(%arg14 : memref<!tpu.dma_semaphore, #tpu.memory_space<semaphore_mem>>) src(%dma_wait3A_83 : memref<128xi32, #tpu.memory_space<hbm>>) dst(%arg9 : memref<128xi32, #tpu.memory_space<vmem>>)
        %add3A_84 = arith.addi %mul3A_0, %mul3A_45 : i32
        %mul3A_85 = arith.constant 128 : i32
        %mul3A_86 = arith.muli %add3A_84, %mul3A_85 : i32
        %dma_wait3A_87 = arith.constant 0 : i32
        %dma_wait3A_88 = tpu.memref_slice %arg3[%mul3A_86, %dma_wait3A_87] : memref<320000x128xf32, #tpu.memory_space<hbm>> -> memref<128x128xf32, #tpu.memory_space<hbm>>
        %dma_wait3A_89 = arith.constant 0 : i32
        %dma_wait3A_90 = tpu.memref_slice %arg3[%mul3A_86, %dma_wait3A_89] : memref<320000x128xf32, #tpu.memory_space<hbm>> -> memref<128x128xf32, #tpu.memory_space<hbm>>
        tpu.wait_dma2 semaphore(%arg14 : memref<!tpu.dma_semaphore, #tpu.memory_space<semaphore_mem>>) src(%dma_wait3A_90 : memref<128x128xf32, #tpu.memory_space<hbm>>) dst(%arg11 : memref<128x128xf32, #tpu.memory_space<vmem>>)
        %dma_start3A_91 = arith.constant 0 : i32
        %dma_start3A_92 = arith.constant 0 : i32
        %dma_start3A_93 = tpu.memref_slice %arg13[%dma_start3A_91, %dma_start3A_92] : memref<10000x128xf32, #tpu.memory_space<vmem_shared>> -> memref<10000x128xf32, #tpu.memory_space<vmem_shared>>
        tpu.enqueue_indirect_dma source(%arg11 : memref<128x128xf32, #tpu.memory_space<vmem>>) target(%dma_start3A_93 : memref<10000x128xf32, #tpu.memory_space<vmem_shared>>) offsets(%arg9 : memref<128xi32, #tpu.memory_space<vmem>>) semaphore(%arg16 : memref<!tpu.dma_semaphore, #tpu.memory_space<semaphore_mem>>) {add = true}
        %add3A_94 = arith.addi %mul3A_0, %add3A_46 : i32
        %mul3A_95 = arith.constant 128 : i32
        %mul3A_96 = arith.muli %add3A_94, %mul3A_95 : i32
        %dma_wait3A_97 = tpu.memref_slice %arg5[%mul3A_96] : memref<320000xi32, #tpu.memory_space<hbm>> -> memref<128xi32, #tpu.memory_space<hbm>>
        %dma_wait3A_98 = tpu.memref_slice %arg5[%mul3A_96] : memref<320000xi32, #tpu.memory_space<hbm>> -> memref<128xi32, #tpu.memory_space<hbm>>
        tpu.wait_dma2 semaphore(%arg15 : memref<!tpu.dma_semaphore, #tpu.memory_space<semaphore_mem>>) src(%dma_wait3A_98 : memref<128xi32, #tpu.memory_space<hbm>>) dst(%arg10 : memref<128xi32, #tpu.memory_space<vmem>>)
        %add3A_99 = arith.addi %mul3A_0, %add3A_46 : i32
        %mul3A_100 = arith.constant 128 : i32
        %mul3A_101 = arith.muli %add3A_99, %mul3A_100 : i32
        %dma_wait3A_102 = arith.constant 0 : i32
        %dma_wait3A_103 = tpu.memref_slice %arg3[%mul3A_101, %dma_wait3A_102] : memref<320000x128xf32, #tpu.memory_space<hbm>> -> memref<128x128xf32, #tpu.memory_space<hbm>>
        %dma_wait3A_104 = arith.constant 0 : i32
        %dma_wait3A_105 = tpu.memref_slice %arg3[%mul3A_101, %dma_wait3A_104] : memref<320000x128xf32, #tpu.memory_space<hbm>> -> memref<128x128xf32, #tpu.memory_space<hbm>>
        tpu.wait_dma2 semaphore(%arg15 : memref<!tpu.dma_semaphore, #tpu.memory_space<semaphore_mem>>) src(%dma_wait3A_105 : memref<128x128xf32, #tpu.memory_space<hbm>>) dst(%arg12 : memref<128x128xf32, #tpu.memory_space<vmem>>)
        %dma_start3A_106 = arith.constant 0 : i32
        %dma_start3A_107 = arith.constant 0 : i32
        %dma_start3A_108 = tpu.memref_slice %arg13[%dma_start3A_106, %dma_start3A_107] : memref<10000x128xf32, #tpu.memory_space<vmem_shared>> -> memref<10000x128xf32, #tpu.memory_space<vmem_shared>>
        tpu.enqueue_indirect_dma source(%arg12 : memref<128x128xf32, #tpu.memory_space<vmem>>) target(%dma_start3A_108 : memref<10000x128xf32, #tpu.memory_space<vmem_shared>>) offsets(%arg10 : memref<128xi32, #tpu.memory_space<vmem>>) semaphore(%arg17 : memref<!tpu.dma_semaphore, #tpu.memory_space<semaphore_mem>>) {add = true}
      }
      %dma_wait3A = arith.constant 0 : i32
      %dma_wait3A_38 = arith.constant 0 : i32
      %dma_wait3A_39 = tpu.memref_slice %arg13[%dma_wait3A, %dma_wait3A_38] : memref<10000x128xf32, #tpu.memory_space<vmem_shared>> -> memref<10000x128xf32, #tpu.memory_space<vmem_shared>>
      tpu.wait_indirect_dma semaphore(%arg16 : memref<!tpu.dma_semaphore, #tpu.memory_space<semaphore_mem>>) src(%arg11 : memref<128x128xf32, #tpu.memory_space<vmem>>) dst(%dma_wait3A_39 : memref<10000x128xf32, #tpu.memory_space<vmem_shared>>)
      %dma_wait3A_40 = arith.constant 0 : i32
      %dma_wait3A_41 = arith.constant 0 : i32
      %dma_wait3A_42 = tpu.memref_slice %arg13[%dma_wait3A_40, %dma_wait3A_41] : memref<10000x128xf32, #tpu.memory_space<vmem_shared>> -> memref<10000x128xf32, #tpu.memory_space<vmem_shared>>
      tpu.wait_indirect_dma semaphore(%arg17 : memref<!tpu.dma_semaphore, #tpu.memory_space<semaphore_mem>>) src(%arg11 : memref<128x128xf32, #tpu.memory_space<vmem>>) dst(%dma_wait3A_42 : memref<10000x128xf32, #tpu.memory_space<vmem_shared>>)
    } else {
    }
    %barrier3A_18 = arith.constant 0 : index
    tpu.barrier barrier_id(%barrier3A_18)
    %eq3A_19 = arith.constant 0 : i32
    %eq3A_20 = arith.cmpi eq, %arg0, %eq3A_19 : i32
    %convert_element_type3A_21 = arith.extui %eq3A_20 : i1 to i32
    %cond3A_22 = arith.constant 0 : i32
    %cond3A_23 = arith.cmpi ne, %convert_element_type3A_21, %cond3A_22 : i32
    scf.if %cond3A_23 {
      "tpu.region"() ({
        %run_scoped3A = tpu.sem_alloc : memref<!tpu.dma_semaphore, #tpu.memory_space<semaphore_mem>>
        %dma_start3A = arith.constant 0 : i32
        %dma_start3A_34 = tpu.memref_slice %arg7[%mul3A_4, %dma_start3A] : memref<10000x128xf32, #tpu.memory_space<hbm>> -> memref<624x128xf32, #tpu.memory_space<hbm>>
        %dma_start3A_35 = arith.constant 0 : i32
        %dma_start3A_36 = tpu.memref_slice %arg13[%mul3A_4, %dma_start3A_35] : memref<10000x128xf32, #tpu.memory_space<vmem_shared>> -> memref<624x128xf32, #tpu.memory_space<vmem_shared>>
        tpu.enqueue_dma source(%dma_start3A_36 : memref<624x128xf32, #tpu.memory_space<vmem_shared>>) target(%dma_start3A_34 : memref<624x128xf32, #tpu.memory_space<hbm>>) target_semaphore(%run_scoped3A : memref<!tpu.dma_semaphore, #tpu.memory_space<semaphore_mem>>)
        %dma_wait3A = arith.constant 0 : i32
        %dma_wait3A_37 = tpu.memref_slice %arg7[%mul3A_4, %dma_wait3A] : memref<10000x128xf32, #tpu.memory_space<hbm>> -> memref<624x128xf32, #tpu.memory_space<hbm>>
        %dma_wait3A_38 = arith.constant 0 : i32
        %dma_wait3A_39 = tpu.memref_slice %arg13[%mul3A_4, %dma_wait3A_38] : memref<10000x128xf32, #tpu.memory_space<vmem_shared>> -> memref<624x128xf32, #tpu.memory_space<vmem_shared>>
        tpu.wait_dma2 semaphore(%run_scoped3A : memref<!tpu.dma_semaphore, #tpu.memory_space<semaphore_mem>>) src(%dma_wait3A_39 : memref<624x128xf32, #tpu.memory_space<vmem_shared>>) dst(%dma_wait3A_37 : memref<624x128xf32, #tpu.memory_space<hbm>>)
        tpu.yield
      }) : () -> ()
      %eq3A_29 = arith.constant 15 : i32
      %eq3A_30 = arith.cmpi eq, %arg1, %eq3A_29 : i32
      %convert_element_type3A_31 = arith.extui %eq3A_30 : i1 to i32
      %cond3A_32 = arith.constant 0 : i32
      %cond3A_33 = arith.cmpi ne, %convert_element_type3A_31, %cond3A_32 : i32
      scf.if %cond3A_33 {
        "tpu.region"() ({
          %run_scoped3A = tpu.sem_alloc : memref<!tpu.dma_semaphore, #tpu.memory_space<semaphore_mem>>
          %dma_start3A = arith.constant 9984 : i32
          %dma_start3A_34 = arith.constant 0 : i32
          %dma_start3A_35 = tpu.memref_slice %arg7[%dma_start3A, %dma_start3A_34] : memref<10000x128xf32, #tpu.memory_space<hbm>> -> memref<16x128xf32, #tpu.memory_space<hbm>>
          %dma_start3A_36 = arith.constant 9984 : i32
          %dma_start3A_37 = arith.constant 0 : i32
          %dma_start3A_38 = tpu.memref_slice %arg13[%dma_start3A_36, %dma_start3A_37] : memref<10000x128xf32, #tpu.memory_space<vmem_shared>> -> memref<16x128xf32, #tpu.memory_space<vmem_shared>>
          tpu.enqueue_dma source(%dma_start3A_38 : memref<16x128xf32, #tpu.memory_space<vmem_shared>>) target(%dma_start3A_35 : memref<16x128xf32, #tpu.memory_space<hbm>>) target_semaphore(%run_scoped3A : memref<!tpu.dma_semaphore, #tpu.memory_space<semaphore_mem>>)
          %dma_wait3A = arith.constant 9984 : i32
          %dma_wait3A_39 = arith.constant 0 : i32
          %dma_wait3A_40 = tpu.memref_slice %arg7[%dma_wait3A, %dma_wait3A_39] : memref<10000x128xf32, #tpu.memory_space<hbm>> -> memref<16x128xf32, #tpu.memory_space<hbm>>
          %dma_wait3A_41 = arith.constant 9984 : i32
          %dma_wait3A_42 = arith.constant 0 : i32
          %dma_wait3A_43 = tpu.memref_slice %arg13[%dma_wait3A_41, %dma_wait3A_42] : memref<10000x128xf32, #tpu.memory_space<vmem_shared>> -> memref<16x128xf32, #tpu.memory_space<vmem_shared>>
          tpu.wait_dma2 semaphore(%run_scoped3A : memref<!tpu.dma_semaphore, #tpu.memory_space<semaphore_mem>>) src(%dma_wait3A_43 : memref<16x128xf32, #tpu.memory_space<vmem_shared>>) dst(%dma_wait3A_40 : memref<16x128xf32, #tpu.memory_space<hbm>>)
          tpu.yield
        }) : () -> ()
      } else {
      }
    } else {
    }
    %eq3A_24 = arith.constant 1 : i32
    %eq3A_25 = arith.cmpi eq, %arg0, %eq3A_24 : i32
    %convert_element_type3A_26 = arith.extui %eq3A_25 : i1 to i32
    %cond3A_27 = arith.constant 0 : i32
    %cond3A_28 = arith.cmpi ne, %convert_element_type3A_26, %cond3A_27 : i32
    scf.if %cond3A_28 {
      "tpu.region"() ({
        %run_scoped3A = tpu.sem_alloc : memref<!tpu.dma_semaphore, #tpu.memory_space<semaphore_mem>>
        %dma_start3A = arith.constant 0 : i32
        %dma_start3A_34 = tpu.memref_slice %arg8[%mul3A_4, %dma_start3A] : memref<10000x128xf32, #tpu.memory_space<hbm>> -> memref<624x128xf32, #tpu.memory_space<hbm>>
        %dma_start3A_35 = arith.constant 0 : i32
        %dma_start3A_36 = tpu.memref_slice %arg13[%mul3A_4, %dma_start3A_35] : memref<10000x128xf32, #tpu.memory_space<vmem_shared>> -> memref<624x128xf32, #tpu.memory_space<vmem_shared>>
        tpu.enqueue_dma source(%dma_start3A_36 : memref<624x128xf32, #tpu.memory_space<vmem_shared>>) target(%dma_start3A_34 : memref<624x128xf32, #tpu.memory_space<hbm>>) target_semaphore(%run_scoped3A : memref<!tpu.dma_semaphore, #tpu.memory_space<semaphore_mem>>)
        %dma_wait3A = arith.constant 0 : i32
        %dma_wait3A_37 = tpu.memref_slice %arg8[%mul3A_4, %dma_wait3A] : memref<10000x128xf32, #tpu.memory_space<hbm>> -> memref<624x128xf32, #tpu.memory_space<hbm>>
        %dma_wait3A_38 = arith.constant 0 : i32
        %dma_wait3A_39 = tpu.memref_slice %arg13[%mul3A_4, %dma_wait3A_38] : memref<10000x128xf32, #tpu.memory_space<vmem_shared>> -> memref<624x128xf32, #tpu.memory_space<vmem_shared>>
        tpu.wait_dma2 semaphore(%run_scoped3A : memref<!tpu.dma_semaphore, #tpu.memory_space<semaphore_mem>>) src(%dma_wait3A_39 : memref<624x128xf32, #tpu.memory_space<vmem_shared>>) dst(%dma_wait3A_37 : memref<624x128xf32, #tpu.memory_space<hbm>>)
        tpu.yield
      }) : () -> ()
      %eq3A_29 = arith.constant 15 : i32
      %eq3A_30 = arith.cmpi eq, %arg1, %eq3A_29 : i32
      %convert_element_type3A_31 = arith.extui %eq3A_30 : i1 to i32
      %cond3A_32 = arith.constant 0 : i32
      %cond3A_33 = arith.cmpi ne, %convert_element_type3A_31, %cond3A_32 : i32
      scf.if %cond3A_33 {
        "tpu.region"() ({
          %run_scoped3A = tpu.sem_alloc : memref<!tpu.dma_semaphore, #tpu.memory_space<semaphore_mem>>
          %dma_start3A = arith.constant 9984 : i32
          %dma_start3A_34 = arith.constant 0 : i32
          %dma_start3A_35 = tpu.memref_slice %arg8[%dma_start3A, %dma_start3A_34] : memref<10000x128xf32, #tpu.memory_space<hbm>> -> memref<16x128xf32, #tpu.memory_space<hbm>>
          %dma_start3A_36 = arith.constant 9984 : i32
          %dma_start3A_37 = arith.constant 0 : i32
          %dma_start3A_38 = tpu.memref_slice %arg13[%dma_start3A_36, %dma_start3A_37] : memref<10000x128xf32, #tpu.memory_space<vmem_shared>> -> memref<16x128xf32, #tpu.memory_space<vmem_shared>>
          tpu.enqueue_dma source(%dma_start3A_38 : memref<16x128xf32, #tpu.memory_space<vmem_shared>>) target(%dma_start3A_35 : memref<16x128xf32, #tpu.memory_space<hbm>>) target_semaphore(%run_scoped3A : memref<!tpu.dma_semaphore, #tpu.memory_space<semaphore_mem>>)
          %dma_wait3A = arith.constant 9984 : i32
          %dma_wait3A_39 = arith.constant 0 : i32
          %dma_wait3A_40 = tpu.memref_slice %arg8[%dma_wait3A, %dma_wait3A_39] : memref<10000x128xf32, #tpu.memory_space<hbm>> -> memref<16x128xf32, #tpu.memory_space<hbm>>
          %dma_wait3A_41 = arith.constant 9984 : i32
          %dma_wait3A_42 = arith.constant 0 : i32
          %dma_wait3A_43 = tpu.memref_slice %arg13[%dma_wait3A_41, %dma_wait3A_42] : memref<10000x128xf32, #tpu.memory_space<vmem_shared>> -> memref<16x128xf32, #tpu.memory_space<vmem_shared>>
          tpu.wait_dma2 semaphore(%run_scoped3A : memref<!tpu.dma_semaphore, #tpu.memory_space<semaphore_mem>>) src(%dma_wait3A_43 : memref<16x128xf32, #tpu.memory_space<vmem_shared>>) dst(%dma_wait3A_40 : memref<16x128xf32, #tpu.memory_space<hbm>>)
          tpu.yield
        }) : () -> ()
      } else {
      }
    } else {
    }
    return
  }
}

module attributes {stable_mosaic.version = 14 : i64} {
  func.func @_node_block(%arg0: i32, %arg1: memref<1000x128xf32, #tpu.memory_space<vmem>>, %arg2: memref<1000x128xf32, #tpu.memory_space<vmem>>, %arg3: memref<1000x128xf32, #tpu.memory_space<vmem>>, %arg4: memref<128x128xf32, #tpu.memory_space<vmem>>, %arg5: memref<128x128xf32, #tpu.memory_space<vmem>>, %arg6: memref<128x128xf32, #tpu.memory_space<vmem>>, %arg7: memref<1x128xf32, #tpu.memory_space<vmem>>, %arg8: memref<128x128xf32, #tpu.memory_space<vmem>>, %arg9: memref<1x128xf32, #tpu.memory_space<vmem>>, %arg10: memref<128x128xf32, #tpu.memory_space<vmem>>, %arg11: memref<1x128xf32, #tpu.memory_space<vmem>>, %arg12: memref<1x128xf32, #tpu.memory_space<vmem>>, %arg13: memref<1x128xf32, #tpu.memory_space<vmem>>, %arg14: memref<1000x128xf32, #tpu.memory_space<vmem>>) attributes {dimension_semantics = [#tpu.dimension_semantics<arbitrary>], iteration_bounds = array<i64: 10>, scalar_prefetch = 0 : i64, scratch_operands = 0 : i64, tpu.core_type = #tpu.core_type<tc>, window_params = [{transform_indices = @transform_0, window_bounds = array<i64: 1000, 128>}, {transform_indices = @transform_1, window_bounds = array<i64: 1000, 128>}, {transform_indices = @transform_2, window_bounds = array<i64: 1000, 128>}, {pipeline_mode = #tpu.pipeline_mode<synchronous>, transform_indices = @transform_3, window_bounds = array<i64: 128, 128>}, {pipeline_mode = #tpu.pipeline_mode<synchronous>, transform_indices = @transform_4, window_bounds = array<i64: 128, 128>}, {pipeline_mode = #tpu.pipeline_mode<synchronous>, transform_indices = @transform_5, window_bounds = array<i64: 128, 128>}, {pipeline_mode = #tpu.pipeline_mode<synchronous>, transform_indices = @transform_6, window_bounds = array<i64: 1, 128>}, {pipeline_mode = #tpu.pipeline_mode<synchronous>, transform_indices = @transform_7, window_bounds = array<i64: 128, 128>}, {pipeline_mode = #tpu.pipeline_mode<synchronous>, transform_indices = @transform_8, window_bounds = array<i64: 1, 128>}, {pipeline_mode = #tpu.pipeline_mode<synchronous>, transform_indices = @transform_9, window_bounds = array<i64: 128, 128>}, {pipeline_mode = #tpu.pipeline_mode<synchronous>, transform_indices = @transform_10, window_bounds = array<i64: 1, 128>}, {pipeline_mode = #tpu.pipeline_mode<synchronous>, transform_indices = @transform_11, window_bounds = array<i64: 1, 128>}, {pipeline_mode = #tpu.pipeline_mode<synchronous>, transform_indices = @transform_12, window_bounds = array<i64: 1, 128>}, {transform_indices = @transform_13, window_bounds = array<i64: 1000, 128>}]} {
    %get3A = arith.constant 0 : index
    %get3A_0 = arith.constant 0 : index
    %get3A_1 = vector.load %arg1[%get3A, %get3A_0] : memref<1000x128xf32, #tpu.memory_space<vmem>>, vector<1000x128xf32>
    %get3A_2 = arith.constant 0 : index
    %get3A_3 = arith.constant 0 : index
    %get3A_4 = vector.load %arg4[%get3A_2, %get3A_3] : memref<128x128xf32, #tpu.memory_space<vmem>>, vector<128x128xf32>
    %convert_element_type3A = arith.truncf %get3A_1 : vector<1000x128xf32> to vector<1000x128xbf16>
    %convert_element_type3A_5 = arith.truncf %get3A_4 : vector<128x128xf32> to vector<128x128xbf16>
    %dot_general3A = arith.constant dense<0.000000e+00> : vector<1000x128xf32>
    %dot_general3A_6 = tpu.matmul %convert_element_type3A, %convert_element_type3A_5, %dot_general3A {dimension_numbers = #tpu.dot_dimension_numbers<[1], [0], [0], [1], [0, 0, 1, 1], [], []>, transpose_lhs_hint = false} : vector<1000x128xbf16>, vector<128x128xbf16>, vector<1000x128xf32> -> vector<1000x128xf32>
    %get3A_7 = arith.constant 0 : index
    %get3A_8 = arith.constant 0 : index
    %get3A_9 = vector.load %arg2[%get3A_7, %get3A_8] : memref<1000x128xf32, #tpu.memory_space<vmem>>, vector<1000x128xf32>
    %get3A_10 = arith.constant 0 : index
    %get3A_11 = arith.constant 0 : index
    %get3A_12 = vector.load %arg5[%get3A_10, %get3A_11] : memref<128x128xf32, #tpu.memory_space<vmem>>, vector<128x128xf32>
    %convert_element_type3A_13 = arith.truncf %get3A_9 : vector<1000x128xf32> to vector<1000x128xbf16>
    %convert_element_type3A_14 = arith.truncf %get3A_12 : vector<128x128xf32> to vector<128x128xbf16>
    %dot_general3A_15 = arith.constant dense<0.000000e+00> : vector<1000x128xf32>
    %dot_general3A_16 = tpu.matmul %convert_element_type3A_13, %convert_element_type3A_14, %dot_general3A_15 {dimension_numbers = #tpu.dot_dimension_numbers<[1], [0], [0], [1], [0, 0, 1, 1], [], []>, transpose_lhs_hint = false} : vector<1000x128xbf16>, vector<128x128xbf16>, vector<1000x128xf32> -> vector<1000x128xf32>
    %add3A = arith.addf %dot_general3A_6, %dot_general3A_16 : vector<1000x128xf32>
    %get3A_17 = arith.constant 0 : index
    %get3A_18 = arith.constant 0 : index
    %get3A_19 = vector.load %arg3[%get3A_17, %get3A_18] : memref<1000x128xf32, #tpu.memory_space<vmem>>, vector<1000x128xf32>
    %get3A_20 = arith.constant 0 : index
    %get3A_21 = arith.constant 0 : index
    %get3A_22 = vector.load %arg6[%get3A_20, %get3A_21] : memref<128x128xf32, #tpu.memory_space<vmem>>, vector<128x128xf32>
    %convert_element_type3A_23 = arith.truncf %get3A_19 : vector<1000x128xf32> to vector<1000x128xbf16>
    %convert_element_type3A_24 = arith.truncf %get3A_22 : vector<128x128xf32> to vector<128x128xbf16>
    %dot_general3A_25 = arith.constant dense<0.000000e+00> : vector<1000x128xf32>
    %dot_general3A_26 = tpu.matmul %convert_element_type3A_23, %convert_element_type3A_24, %dot_general3A_25 {dimension_numbers = #tpu.dot_dimension_numbers<[1], [0], [0], [1], [0, 0, 1, 1], [], []>, transpose_lhs_hint = false} : vector<1000x128xbf16>, vector<128x128xbf16>, vector<1000x128xf32> -> vector<1000x128xf32>
    %add3A_27 = arith.addf %add3A, %dot_general3A_26 : vector<1000x128xf32>
    %get3A_28 = arith.constant 0 : index
    %get3A_29 = arith.constant 0 : index
    %get3A_30 = vector.load %arg7[%get3A_28, %get3A_29] : memref<1x128xf32, #tpu.memory_space<vmem>>, vector<1x128xf32>
    %add3A_31 = vector.broadcast %get3A_30 : vector<1x128xf32> to vector<1000x128xf32>
    %add3A_32 = arith.addf %add3A_27, %add3A_31 : vector<1000x128xf32>
    %get3A_33 = arith.constant 0 : index
    %get3A_34 = arith.constant 0 : index
    %get3A_35 = vector.load %arg8[%get3A_33, %get3A_34] : memref<128x128xf32, #tpu.memory_space<vmem>>, vector<128x128xf32>
    %get3A_36 = arith.constant 0 : index
    %get3A_37 = arith.constant 0 : index
    %get3A_38 = vector.load %arg9[%get3A_36, %get3A_37] : memref<1x128xf32, #tpu.memory_space<vmem>>, vector<1x128xf32>
    %get3A_39 = arith.constant 0 : index
    %get3A_40 = arith.constant 0 : index
    %get3A_41 = vector.load %arg10[%get3A_39, %get3A_40] : memref<128x128xf32, #tpu.memory_space<vmem>>, vector<128x128xf32>
    %get3A_42 = arith.constant 0 : index
    %get3A_43 = arith.constant 0 : index
    %get3A_44 = vector.load %arg11[%get3A_42, %get3A_43] : memref<1x128xf32, #tpu.memory_space<vmem>>, vector<1x128xf32>
    %get3A_45 = arith.constant 0 : index
    %get3A_46 = arith.constant 0 : index
    %get3A_47 = vector.load %arg12[%get3A_45, %get3A_46] : memref<1x128xf32, #tpu.memory_space<vmem>>, vector<1x128xf32>
    %get3A_48 = arith.constant 0 : index
    %get3A_49 = arith.constant 0 : index
    %get3A_50 = vector.load %arg13[%get3A_48, %get3A_49] : memref<1x128xf32, #tpu.memory_space<vmem>>, vector<1x128xf32>
    %max3A = arith.constant 0.000000e+00 : f32
    %max3A_51 = vector.broadcast %max3A : f32 to vector<1000x128xf32>
    %max3A_52 = arith.maximumf %add3A_32, %max3A_51 : vector<1000x128xf32>
    %abs3A = math.absf %add3A_32 : vector<1000x128xf32>
    %neg3A = arith.constant 0.000000e+00 : f32
    %neg3A_53 = vector.broadcast %neg3A : f32 to vector<1000x128xf32>
    %neg3A_54 = arith.subf %neg3A_53, %abs3A : vector<1000x128xf32>
    %exp3A = math.exp %neg3A_54 : vector<1000x128xf32>
    %log1p3A = math.log1p %exp3A : vector<1000x128xf32>
    %add3A_55 = arith.addf %max3A_52, %log1p3A : vector<1000x128xf32>
    %sub3A = arith.constant 0.693147182 : f32
    %sub3A_56 = vector.broadcast %sub3A : f32 to vector<1000x128xf32>
    %sub3A_57 = arith.subf %add3A_55, %sub3A_56 : vector<1000x128xf32>
    %convert_element_type3A_58 = arith.truncf %sub3A_57 : vector<1000x128xf32> to vector<1000x128xbf16>
    %convert_element_type3A_59 = arith.truncf %get3A_35 : vector<128x128xf32> to vector<128x128xbf16>
    %dot_general3A_60 = arith.constant dense<0.000000e+00> : vector<1000x128xf32>
    %dot_general3A_61 = tpu.matmul %convert_element_type3A_58, %convert_element_type3A_59, %dot_general3A_60 {dimension_numbers = #tpu.dot_dimension_numbers<[1], [0], [0], [1], [0, 0, 1, 1], [], []>, transpose_lhs_hint = false} : vector<1000x128xbf16>, vector<128x128xbf16>, vector<1000x128xf32> -> vector<1000x128xf32>
    %add3A_62 = vector.broadcast %get3A_38 : vector<1x128xf32> to vector<1000x128xf32>
    %add3A_63 = arith.addf %dot_general3A_61, %add3A_62 : vector<1000x128xf32>
    %max3A_64 = arith.constant 0.000000e+00 : f32
    %max3A_65 = vector.broadcast %max3A_64 : f32 to vector<1000x128xf32>
    %max3A_66 = arith.maximumf %add3A_63, %max3A_65 : vector<1000x128xf32>
    %abs3A_67 = math.absf %add3A_63 : vector<1000x128xf32>
    %neg3A_68 = arith.constant 0.000000e+00 : f32
    %neg3A_69 = vector.broadcast %neg3A_68 : f32 to vector<1000x128xf32>
    %neg3A_70 = arith.subf %neg3A_69, %abs3A_67 : vector<1000x128xf32>
    %exp3A_71 = math.exp %neg3A_70 : vector<1000x128xf32>
    %log1p3A_72 = math.log1p %exp3A_71 : vector<1000x128xf32>
    %add3A_73 = arith.addf %max3A_66, %log1p3A_72 : vector<1000x128xf32>
    %sub3A_74 = arith.constant 0.693147182 : f32
    %sub3A_75 = vector.broadcast %sub3A_74 : f32 to vector<1000x128xf32>
    %sub3A_76 = arith.subf %add3A_73, %sub3A_75 : vector<1000x128xf32>
    %convert_element_type3A_77 = arith.truncf %sub3A_76 : vector<1000x128xf32> to vector<1000x128xbf16>
    %convert_element_type3A_78 = arith.truncf %get3A_41 : vector<128x128xf32> to vector<128x128xbf16>
    %dot_general3A_79 = arith.constant dense<0.000000e+00> : vector<1000x128xf32>
    %dot_general3A_80 = tpu.matmul %convert_element_type3A_77, %convert_element_type3A_78, %dot_general3A_79 {dimension_numbers = #tpu.dot_dimension_numbers<[1], [0], [0], [1], [0, 0, 1, 1], [], []>, transpose_lhs_hint = false} : vector<1000x128xbf16>, vector<128x128xbf16>, vector<1000x128xf32> -> vector<1000x128xf32>
    %add3A_81 = vector.broadcast %get3A_44 : vector<1x128xf32> to vector<1000x128xf32>
    %add3A_82 = arith.addf %dot_general3A_80, %add3A_81 : vector<1000x128xf32>
    %reduce_sum3A = arith.constant dense<0.000000e+00> : vector<1000xf32>
    %reduce_sum3A_83 = vector.multi_reduction <add>, %add3A_82, %reduce_sum3A [1] : vector<1000x128xf32> to vector<1000xf32>
    %broadcast_in_dim3A = vector.shape_cast %reduce_sum3A_83 : vector<1000xf32> to vector<1000x1xf32>
    %div3A = arith.constant 1.280000e+02 : f32
    %div3A_84 = vector.broadcast %div3A : f32 to vector<1000x1xf32>
    %div3A_85 = arith.divf %broadcast_in_dim3A, %div3A_84 : vector<1000x1xf32>
    %sub3A_86 = vector.broadcast %div3A_85 : vector<1000x1xf32> to vector<1000x128xf32>
    %sub3A_87 = arith.subf %add3A_82, %sub3A_86 : vector<1000x128xf32>
    %integer_pow3A = arith.mulf %sub3A_87, %sub3A_87 : vector<1000x128xf32>
    %reduce_sum3A_88 = arith.constant dense<0.000000e+00> : vector<1000xf32>
    %reduce_sum3A_89 = vector.multi_reduction <add>, %integer_pow3A, %reduce_sum3A_88 [1] : vector<1000x128xf32> to vector<1000xf32>
    %broadcast_in_dim3A_90 = vector.shape_cast %reduce_sum3A_89 : vector<1000xf32> to vector<1000x1xf32>
    %div3A_91 = arith.constant 1.280000e+02 : f32
    %div3A_92 = vector.broadcast %div3A_91 : f32 to vector<1000x1xf32>
    %div3A_93 = arith.divf %broadcast_in_dim3A_90, %div3A_92 : vector<1000x1xf32>
    %sub3A_94 = vector.broadcast %div3A_85 : vector<1000x1xf32> to vector<1000x128xf32>
    %sub3A_95 = arith.subf %add3A_82, %sub3A_94 : vector<1000x128xf32>
    %add3A_96 = arith.constant 9.99999974E-6 : f32
    %add3A_97 = vector.broadcast %add3A_96 : f32 to vector<1000x1xf32>
    %add3A_98 = arith.addf %div3A_93, %add3A_97 : vector<1000x1xf32>
    %rsqrt3A = math.rsqrt %add3A_98 : vector<1000x1xf32>
    %mul3A = vector.broadcast %rsqrt3A : vector<1000x1xf32> to vector<1000x128xf32>
    %mul3A_99 = arith.mulf %sub3A_95, %mul3A : vector<1000x128xf32>
    %mul3A_100 = vector.broadcast %get3A_47 : vector<1x128xf32> to vector<1000x128xf32>
    %mul3A_101 = arith.mulf %mul3A_99, %mul3A_100 : vector<1000x128xf32>
    %add3A_102 = vector.broadcast %get3A_50 : vector<1x128xf32> to vector<1000x128xf32>
    %add3A_103 = arith.addf %mul3A_101, %add3A_102 : vector<1000x128xf32>
    %add3A_104 = arith.addf %get3A_1, %add3A_103 : vector<1000x128xf32>
    %swap3A = arith.constant 0 : index
    %swap3A_105 = arith.constant 0 : index
    %swap3A_106 = vector.load %arg14[%swap3A, %swap3A_105] : memref<1000x128xf32, #tpu.memory_space<vmem>>, vector<1000x128xf32>
    tpu.vector_store %arg14[%swap3A, %swap3A_105], %add3A_104 {strides = array<i32>} : memref<1000x128xf32, #tpu.memory_space<vmem>>, vector<1000x128xf32>,
    return
  }
  func.func @transform_0(%arg0: i32) -> (i32, i32) {
    %c0_i32 = arith.constant 0 : i32
    %c0_i32_0 = arith.constant 0 : i32
    return %arg0, %c0_i32 : i32, i32
  }
  func.func @transform_1(%arg0: i32) -> (i32, i32) {
    %c0_i32 = arith.constant 0 : i32
    %c0_i32_0 = arith.constant 0 : i32
    return %arg0, %c0_i32 : i32, i32
  }
  func.func @transform_2(%arg0: i32) -> (i32, i32) {
    %c0_i32 = arith.constant 0 : i32
    %c0_i32_0 = arith.constant 0 : i32
    return %arg0, %c0_i32 : i32, i32
  }
  func.func @transform_3(%arg0: i32) -> (i32, i32) {
    %c0_i32 = arith.constant 0 : i32
    %c0_i32_0 = arith.constant 0 : i32
    %c0_i32_1 = arith.constant 0 : i32
    return %c0_i32, %c0_i32_0 : i32, i32
  }
  func.func @transform_4(%arg0: i32) -> (i32, i32) {
    %c0_i32 = arith.constant 0 : i32
    %c0_i32_0 = arith.constant 0 : i32
    %c0_i32_1 = arith.constant 0 : i32
    return %c0_i32, %c0_i32_0 : i32, i32
  }
  func.func @transform_5(%arg0: i32) -> (i32, i32) {
    %c0_i32 = arith.constant 0 : i32
    %c0_i32_0 = arith.constant 0 : i32
    %c0_i32_1 = arith.constant 0 : i32
    return %c0_i32, %c0_i32_0 : i32, i32
  }
  func.func @transform_6(%arg0: i32) -> (i32, i32) {
    %c0_i32 = arith.constant 0 : i32
    %c0_i32_0 = arith.constant 0 : i32
    %c0_i32_1 = arith.constant 0 : i32
    return %c0_i32, %c0_i32_0 : i32, i32
  }
  func.func @transform_7(%arg0: i32) -> (i32, i32) {
    %c0_i32 = arith.constant 0 : i32
    %c0_i32_0 = arith.constant 0 : i32
    %c0_i32_1 = arith.constant 0 : i32
    return %c0_i32, %c0_i32_0 : i32, i32
  }
  func.func @transform_8(%arg0: i32) -> (i32, i32) {
    %c0_i32 = arith.constant 0 : i32
    %c0_i32_0 = arith.constant 0 : i32
    %c0_i32_1 = arith.constant 0 : i32
    return %c0_i32, %c0_i32_0 : i32, i32
  }
  func.func @transform_9(%arg0: i32) -> (i32, i32) {
    %c0_i32 = arith.constant 0 : i32
    %c0_i32_0 = arith.constant 0 : i32
    %c0_i32_1 = arith.constant 0 : i32
    return %c0_i32, %c0_i32_0 : i32, i32
  }
  func.func @transform_10(%arg0: i32) -> (i32, i32) {
    %c0_i32 = arith.constant 0 : i32
    %c0_i32_0 = arith.constant 0 : i32
    %c0_i32_1 = arith.constant 0 : i32
    return %c0_i32, %c0_i32_0 : i32, i32
  }
  func.func @transform_11(%arg0: i32) -> (i32, i32) {
    %c0_i32 = arith.constant 0 : i32
    %c0_i32_0 = arith.constant 0 : i32
    %c0_i32_1 = arith.constant 0 : i32
    return %c0_i32, %c0_i32_0 : i32, i32
  }
  func.func @transform_12(%arg0: i32) -> (i32, i32) {
    %c0_i32 = arith.constant 0 : i32
    %c0_i32_0 = arith.constant 0 : i32
    %c0_i32_1 = arith.constant 0 : i32
    return %c0_i32, %c0_i32_0 : i32, i32
  }
  func.func @transform_13(%arg0: i32) -> (i32, i32) {
    %c0_i32 = arith.constant 0 : i32
    %c0_i32_0 = arith.constant 0 : i32
    return %arg0, %c0_i32 : i32, i32
  }
}

module attributes {stable_mosaic.version = 14 : i64} {
  func.func @_edge_block(%arg0: i32, %arg1: memref<512x128xf32, #tpu.memory_space<vmem>>, %arg2: memref<512x128xf32, #tpu.memory_space<vmem>>, %arg3: memref<512x128xf32, #tpu.memory_space<vmem>>, %arg4: memref<128x128xf32, #tpu.memory_space<vmem>>, %arg5: memref<128x128xf32, #tpu.memory_space<vmem>>, %arg6: memref<128x128xf32, #tpu.memory_space<vmem>>, %arg7: memref<1x128xf32, #tpu.memory_space<vmem>>, %arg8: memref<128x128xf32, #tpu.memory_space<vmem>>, %arg9: memref<1x128xf32, #tpu.memory_space<vmem>>, %arg10: memref<128x128xf32, #tpu.memory_space<vmem>>, %arg11: memref<1x128xf32, #tpu.memory_space<vmem>>, %arg12: memref<1x128xf32, #tpu.memory_space<vmem>>, %arg13: memref<1x128xf32, #tpu.memory_space<vmem>>, %arg14: memref<1x128xf32, #tpu.memory_space<vmem>>, %arg15: memref<1x1xf32, #tpu.memory_space<vmem>>, %arg16: memref<1x128xf32, #tpu.memory_space<vmem>>, %arg17: memref<1x1xf32, #tpu.memory_space<vmem>>, %arg18: memref<512x128xf32, #tpu.memory_space<vmem>>, %arg19: memref<512x128xf32, #tpu.memory_space<vmem>>, %arg20: memref<512x128xf32, #tpu.memory_space<vmem>>) attributes {dimension_semantics = [#tpu.dimension_semantics<arbitrary>], iteration_bounds = array<i64: 625>, scalar_prefetch = 0 : i64, scratch_operands = 0 : i64, tpu.core_type = #tpu.core_type<tc>, window_params = [{transform_indices = @transform_0, window_bounds = array<i64: 512, 128>}, {transform_indices = @transform_1, window_bounds = array<i64: 512, 128>}, {transform_indices = @transform_2, window_bounds = array<i64: 512, 128>}, {pipeline_mode = #tpu.pipeline_mode<synchronous>, transform_indices = @transform_3, window_bounds = array<i64: 128, 128>}, {pipeline_mode = #tpu.pipeline_mode<synchronous>, transform_indices = @transform_4, window_bounds = array<i64: 128, 128>}, {pipeline_mode = #tpu.pipeline_mode<synchronous>, transform_indices = @transform_5, window_bounds = array<i64: 128, 128>}, {pipeline_mode = #tpu.pipeline_mode<synchronous>, transform_indices = @transform_6, window_bounds = array<i64: 1, 128>}, {pipeline_mode = #tpu.pipeline_mode<synchronous>, transform_indices = @transform_7, window_bounds = array<i64: 128, 128>}, {pipeline_mode = #tpu.pipeline_mode<synchronous>, transform_indices = @transform_8, window_bounds = array<i64: 1, 128>}, {pipeline_mode = #tpu.pipeline_mode<synchronous>, transform_indices = @transform_9, window_bounds = array<i64: 128, 128>}, {pipeline_mode = #tpu.pipeline_mode<synchronous>, transform_indices = @transform_10, window_bounds = array<i64: 1, 128>}, {pipeline_mode = #tpu.pipeline_mode<synchronous>, transform_indices = @transform_11, window_bounds = array<i64: 1, 128>}, {pipeline_mode = #tpu.pipeline_mode<synchronous>, transform_indices = @transform_12, window_bounds = array<i64: 1, 128>}, {pipeline_mode = #tpu.pipeline_mode<synchronous>, transform_indices = @transform_13, window_bounds = array<i64: 1, 128>}, {pipeline_mode = #tpu.pipeline_mode<synchronous>, transform_indices = @transform_14, window_bounds = array<i64: 1, 1>}, {pipeline_mode = #tpu.pipeline_mode<synchronous>, transform_indices = @transform_15, window_bounds = array<i64: 1, 128>}, {pipeline_mode = #tpu.pipeline_mode<synchronous>, transform_indices = @transform_16, window_bounds = array<i64: 1, 1>}, {transform_indices = @transform_17, window_bounds = array<i64: 512, 128>}, {transform_indices = @transform_18, window_bounds = array<i64: 512, 128>}, {transform_indices = @transform_19, window_bounds = array<i64: 512, 128>}]} {
    %get3A = arith.constant 0 : index
    %get3A_0 = arith.constant 0 : index
    %get3A_1 = vector.load %arg1[%get3A, %get3A_0] : memref<512x128xf32, #tpu.memory_space<vmem>>, vector<512x128xf32>
    %get3A_2 = arith.constant 0 : index
    %get3A_3 = arith.constant 0 : index
    %get3A_4 = vector.load %arg4[%get3A_2, %get3A_3] : memref<128x128xf32, #tpu.memory_space<vmem>>, vector<128x128xf32>
    %convert_element_type3A = arith.truncf %get3A_1 : vector<512x128xf32> to vector<512x128xbf16>
    %convert_element_type3A_5 = arith.truncf %get3A_4 : vector<128x128xf32> to vector<128x128xbf16>
    %dot_general3A = arith.constant dense<0.000000e+00> : vector<512x128xf32>
    %dot_general3A_6 = tpu.matmul %convert_element_type3A, %convert_element_type3A_5, %dot_general3A {dimension_numbers = #tpu.dot_dimension_numbers<[1], [0], [0], [1], [0, 0, 1, 1], [], []>, transpose_lhs_hint = false} : vector<512x128xbf16>, vector<128x128xbf16>, vector<512x128xf32> -> vector<512x128xf32>
    %get3A_7 = arith.constant 0 : index
    %get3A_8 = arith.constant 0 : index
    %get3A_9 = vector.load %arg2[%get3A_7, %get3A_8] : memref<512x128xf32, #tpu.memory_space<vmem>>, vector<512x128xf32>
    %get3A_10 = arith.constant 0 : index
    %get3A_11 = arith.constant 0 : index
    %get3A_12 = vector.load %arg5[%get3A_10, %get3A_11] : memref<128x128xf32, #tpu.memory_space<vmem>>, vector<128x128xf32>
    %convert_element_type3A_13 = arith.truncf %get3A_9 : vector<512x128xf32> to vector<512x128xbf16>
    %convert_element_type3A_14 = arith.truncf %get3A_12 : vector<128x128xf32> to vector<128x128xbf16>
    %dot_general3A_15 = arith.constant dense<0.000000e+00> : vector<512x128xf32>
    %dot_general3A_16 = tpu.matmul %convert_element_type3A_13, %convert_element_type3A_14, %dot_general3A_15 {dimension_numbers = #tpu.dot_dimension_numbers<[1], [0], [0], [1], [0, 0, 1, 1], [], []>, transpose_lhs_hint = false} : vector<512x128xbf16>, vector<128x128xbf16>, vector<512x128xf32> -> vector<512x128xf32>
    %add3A = arith.addf %dot_general3A_6, %dot_general3A_16 : vector<512x128xf32>
    %get3A_17 = arith.constant 0 : index
    %get3A_18 = arith.constant 0 : index
    %get3A_19 = vector.load %arg3[%get3A_17, %get3A_18] : memref<512x128xf32, #tpu.memory_space<vmem>>, vector<512x128xf32>
    %get3A_20 = arith.constant 0 : index
    %get3A_21 = arith.constant 0 : index
    %get3A_22 = vector.load %arg6[%get3A_20, %get3A_21] : memref<128x128xf32, #tpu.memory_space<vmem>>, vector<128x128xf32>
    %convert_element_type3A_23 = arith.truncf %get3A_19 : vector<512x128xf32> to vector<512x128xbf16>
    %convert_element_type3A_24 = arith.truncf %get3A_22 : vector<128x128xf32> to vector<128x128xbf16>
    %dot_general3A_25 = arith.constant dense<0.000000e+00> : vector<512x128xf32>
    %dot_general3A_26 = tpu.matmul %convert_element_type3A_23, %convert_element_type3A_24, %dot_general3A_25 {dimension_numbers = #tpu.dot_dimension_numbers<[1], [0], [0], [1], [0, 0, 1, 1], [], []>, transpose_lhs_hint = false} : vector<512x128xbf16>, vector<128x128xbf16>, vector<512x128xf32> -> vector<512x128xf32>
    %add3A_27 = arith.addf %add3A, %dot_general3A_26 : vector<512x128xf32>
    %get3A_28 = arith.constant 0 : index
    %get3A_29 = arith.constant 0 : index
    %get3A_30 = vector.load %arg7[%get3A_28, %get3A_29] : memref<1x128xf32, #tpu.memory_space<vmem>>, vector<1x128xf32>
    %add3A_31 = vector.broadcast %get3A_30 : vector<1x128xf32> to vector<512x128xf32>
    %add3A_32 = arith.addf %add3A_27, %add3A_31 : vector<512x128xf32>
    %get3A_33 = arith.constant 0 : index
    %get3A_34 = arith.constant 0 : index
    %get3A_35 = vector.load %arg8[%get3A_33, %get3A_34] : memref<128x128xf32, #tpu.memory_space<vmem>>, vector<128x128xf32>
    %get3A_36 = arith.constant 0 : index
    %get3A_37 = arith.constant 0 : index
    %get3A_38 = vector.load %arg9[%get3A_36, %get3A_37] : memref<1x128xf32, #tpu.memory_space<vmem>>, vector<1x128xf32>
    %get3A_39 = arith.constant 0 : index
    %get3A_40 = arith.constant 0 : index
    %get3A_41 = vector.load %arg10[%get3A_39, %get3A_40] : memref<128x128xf32, #tpu.memory_space<vmem>>, vector<128x128xf32>
    %get3A_42 = arith.constant 0 : index
    %get3A_43 = arith.constant 0 : index
    %get3A_44 = vector.load %arg11[%get3A_42, %get3A_43] : memref<1x128xf32, #tpu.memory_space<vmem>>, vector<1x128xf32>
    %get3A_45 = arith.constant 0 : index
    %get3A_46 = arith.constant 0 : index
    %get3A_47 = vector.load %arg12[%get3A_45, %get3A_46] : memref<1x128xf32, #tpu.memory_space<vmem>>, vector<1x128xf32>
    %get3A_48 = arith.constant 0 : index
    %get3A_49 = arith.constant 0 : index
    %get3A_50 = vector.load %arg13[%get3A_48, %get3A_49] : memref<1x128xf32, #tpu.memory_space<vmem>>, vector<1x128xf32>
    %max3A = arith.constant 0.000000e+00 : f32
    %max3A_51 = vector.broadcast %max3A : f32 to vector<512x128xf32>
    %max3A_52 = arith.maximumf %add3A_32, %max3A_51 : vector<512x128xf32>
    %abs3A = math.absf %add3A_32 : vector<512x128xf32>
    %neg3A = arith.constant 0.000000e+00 : f32
    %neg3A_53 = vector.broadcast %neg3A : f32 to vector<512x128xf32>
    %neg3A_54 = arith.subf %neg3A_53, %abs3A : vector<512x128xf32>
    %exp3A = math.exp %neg3A_54 : vector<512x128xf32>
    %log1p3A = math.log1p %exp3A : vector<512x128xf32>
    %add3A_55 = arith.addf %max3A_52, %log1p3A : vector<512x128xf32>
    %sub3A = arith.constant 0.693147182 : f32
    %sub3A_56 = vector.broadcast %sub3A : f32 to vector<512x128xf32>
    %sub3A_57 = arith.subf %add3A_55, %sub3A_56 : vector<512x128xf32>
    %convert_element_type3A_58 = arith.truncf %sub3A_57 : vector<512x128xf32> to vector<512x128xbf16>
    %convert_element_type3A_59 = arith.truncf %get3A_35 : vector<128x128xf32> to vector<128x128xbf16>
    %dot_general3A_60 = arith.constant dense<0.000000e+00> : vector<512x128xf32>
    %dot_general3A_61 = tpu.matmul %convert_element_type3A_58, %convert_element_type3A_59, %dot_general3A_60 {dimension_numbers = #tpu.dot_dimension_numbers<[1], [0], [0], [1], [0, 0, 1, 1], [], []>, transpose_lhs_hint = false} : vector<512x128xbf16>, vector<128x128xbf16>, vector<512x128xf32> -> vector<512x128xf32>
    %add3A_62 = vector.broadcast %get3A_38 : vector<1x128xf32> to vector<512x128xf32>
    %add3A_63 = arith.addf %dot_general3A_61, %add3A_62 : vector<512x128xf32>
    %max3A_64 = arith.constant 0.000000e+00 : f32
    %max3A_65 = vector.broadcast %max3A_64 : f32 to vector<512x128xf32>
    %max3A_66 = arith.maximumf %add3A_63, %max3A_65 : vector<512x128xf32>
    %abs3A_67 = math.absf %add3A_63 : vector<512x128xf32>
    %neg3A_68 = arith.constant 0.000000e+00 : f32
    %neg3A_69 = vector.broadcast %neg3A_68 : f32 to vector<512x128xf32>
    %neg3A_70 = arith.subf %neg3A_69, %abs3A_67 : vector<512x128xf32>
    %exp3A_71 = math.exp %neg3A_70 : vector<512x128xf32>
    %log1p3A_72 = math.log1p %exp3A_71 : vector<512x128xf32>
    %add3A_73 = arith.addf %max3A_66, %log1p3A_72 : vector<512x128xf32>
    %sub3A_74 = arith.constant 0.693147182 : f32
    %sub3A_75 = vector.broadcast %sub3A_74 : f32 to vector<512x128xf32>
    %sub3A_76 = arith.subf %add3A_73, %sub3A_75 : vector<512x128xf32>
    %convert_element_type3A_77 = arith.truncf %sub3A_76 : vector<512x128xf32> to vector<512x128xbf16>
    %convert_element_type3A_78 = arith.truncf %get3A_41 : vector<128x128xf32> to vector<128x128xbf16>
    %dot_general3A_79 = arith.constant dense<0.000000e+00> : vector<512x128xf32>
    %dot_general3A_80 = tpu.matmul %convert_element_type3A_77, %convert_element_type3A_78, %dot_general3A_79 {dimension_numbers = #tpu.dot_dimension_numbers<[1], [0], [0], [1], [0, 0, 1, 1], [], []>, transpose_lhs_hint = false} : vector<512x128xbf16>, vector<128x128xbf16>, vector<512x128xf32> -> vector<512x128xf32>
    %add3A_81 = vector.broadcast %get3A_44 : vector<1x128xf32> to vector<512x128xf32>
    %add3A_82 = arith.addf %dot_general3A_80, %add3A_81 : vector<512x128xf32>
    %reduce_sum3A = arith.constant dense<0.000000e+00> : vector<512xf32>
    %reduce_sum3A_83 = vector.multi_reduction <add>, %add3A_82, %reduce_sum3A [1] : vector<512x128xf32> to vector<512xf32>
    %broadcast_in_dim3A = vector.shape_cast %reduce_sum3A_83 : vector<512xf32> to vector<512x1xf32>
    %div3A = arith.constant 1.280000e+02 : f32
    %div3A_84 = vector.broadcast %div3A : f32 to vector<512x1xf32>
    %div3A_85 = arith.divf %broadcast_in_dim3A, %div3A_84 : vector<512x1xf32>
    %sub3A_86 = vector.broadcast %div3A_85 : vector<512x1xf32> to vector<512x128xf32>
    %sub3A_87 = arith.subf %add3A_82, %sub3A_86 : vector<512x128xf32>
    %integer_pow3A = arith.mulf %sub3A_87, %sub3A_87 : vector<512x128xf32>
    %reduce_sum3A_88 = arith.constant dense<0.000000e+00> : vector<512xf32>
    %reduce_sum3A_89 = vector.multi_reduction <add>, %integer_pow3A, %reduce_sum3A_88 [1] : vector<512x128xf32> to vector<512xf32>
    %broadcast_in_dim3A_90 = vector.shape_cast %reduce_sum3A_89 : vector<512xf32> to vector<512x1xf32>
    %div3A_91 = arith.constant 1.280000e+02 : f32
    %div3A_92 = vector.broadcast %div3A_91 : f32 to vector<512x1xf32>
    %div3A_93 = arith.divf %broadcast_in_dim3A_90, %div3A_92 : vector<512x1xf32>
    %sub3A_94 = vector.broadcast %div3A_85 : vector<512x1xf32> to vector<512x128xf32>
    %sub3A_95 = arith.subf %add3A_82, %sub3A_94 : vector<512x128xf32>
    %add3A_96 = arith.constant 9.99999974E-6 : f32
    %add3A_97 = vector.broadcast %add3A_96 : f32 to vector<512x1xf32>
    %add3A_98 = arith.addf %div3A_93, %add3A_97 : vector<512x1xf32>
    %rsqrt3A = math.rsqrt %add3A_98 : vector<512x1xf32>
    %mul3A = vector.broadcast %rsqrt3A : vector<512x1xf32> to vector<512x128xf32>
    %mul3A_99 = arith.mulf %sub3A_95, %mul3A : vector<512x128xf32>
    %mul3A_100 = vector.broadcast %get3A_47 : vector<1x128xf32> to vector<512x128xf32>
    %mul3A_101 = arith.mulf %mul3A_99, %mul3A_100 : vector<512x128xf32>
    %add3A_102 = vector.broadcast %get3A_50 : vector<1x128xf32> to vector<512x128xf32>
    %add3A_103 = arith.addf %mul3A_101, %add3A_102 : vector<512x128xf32>
    %get3A_104 = arith.constant 0 : index
    %get3A_105 = arith.constant 0 : index
    %get3A_106 = vector.load %arg14[%get3A_104, %get3A_105] : memref<1x128xf32, #tpu.memory_space<vmem>>, vector<1x128xf32>
    %mul3A_107 = vector.broadcast %get3A_106 : vector<1x128xf32> to vector<512x128xf32>
    %mul3A_108 = arith.mulf %get3A_1, %mul3A_107 : vector<512x128xf32>
    %reduce_sum3A_109 = arith.constant dense<0.000000e+00> : vector<512xf32>
    %reduce_sum3A_110 = vector.multi_reduction <add>, %mul3A_108, %reduce_sum3A_109 [1] : vector<512x128xf32> to vector<512xf32>
    %broadcast_in_dim3A_111 = vector.shape_cast %reduce_sum3A_110 : vector<512xf32> to vector<512x1xf32>
    %get3A_112 = arith.constant 0 : index
    %get3A_113 = arith.constant 0 : index
    %get3A_114 = vector.load %arg15[%get3A_112, %get3A_113] : memref<1x1xf32, #tpu.memory_space<vmem>>, vector<1x1xf32>
    %add3A_115 = vector.broadcast %get3A_114 : vector<1x1xf32> to vector<512x1xf32>
    %add3A_116 = arith.addf %broadcast_in_dim3A_111, %add3A_115 : vector<512x1xf32>
    %logistic3A = arith.negf %add3A_116 : vector<512x1xf32>
    %logistic3A_117 = math.exp %logistic3A : vector<512x1xf32>
    %logistic3A_118 = arith.constant 1.000000e+00 : f32
    %logistic3A_119 = vector.broadcast %logistic3A_118 : f32 to vector<512x1xf32>
    %logistic3A_120 = arith.addf %logistic3A_119, %logistic3A_117 : vector<512x1xf32>
    %logistic3A_121 = arith.divf %logistic3A_119, %logistic3A_120 : vector<512x1xf32>
    %get3A_122 = arith.constant 0 : index
    %get3A_123 = arith.constant 0 : index
    %get3A_124 = vector.load %arg16[%get3A_122, %get3A_123] : memref<1x128xf32, #tpu.memory_space<vmem>>, vector<1x128xf32>
    %mul3A_125 = vector.broadcast %get3A_124 : vector<1x128xf32> to vector<512x128xf32>
    %mul3A_126 = arith.mulf %get3A_1, %mul3A_125 : vector<512x128xf32>
    %reduce_sum3A_127 = arith.constant dense<0.000000e+00> : vector<512xf32>
    %reduce_sum3A_128 = vector.multi_reduction <add>, %mul3A_126, %reduce_sum3A_127 [1] : vector<512x128xf32> to vector<512xf32>
    %broadcast_in_dim3A_129 = vector.shape_cast %reduce_sum3A_128 : vector<512xf32> to vector<512x1xf32>
    %get3A_130 = arith.constant 0 : index
    %get3A_131 = arith.constant 0 : index
    %get3A_132 = vector.load %arg17[%get3A_130, %get3A_131] : memref<1x1xf32, #tpu.memory_space<vmem>>, vector<1x1xf32>
    %add3A_133 = vector.broadcast %get3A_132 : vector<1x1xf32> to vector<512x1xf32>
    %add3A_134 = arith.addf %broadcast_in_dim3A_129, %add3A_133 : vector<512x1xf32>
    %logistic3A_135 = arith.negf %add3A_134 : vector<512x1xf32>
    %logistic3A_136 = math.exp %logistic3A_135 : vector<512x1xf32>
    %logistic3A_137 = arith.constant 1.000000e+00 : f32
    %logistic3A_138 = vector.broadcast %logistic3A_137 : f32 to vector<512x1xf32>
    %logistic3A_139 = arith.addf %logistic3A_138, %logistic3A_136 : vector<512x1xf32>
    %logistic3A_140 = arith.divf %logistic3A_138, %logistic3A_139 : vector<512x1xf32>
    %add3A_141 = arith.addf %get3A_1, %add3A_103 : vector<512x128xf32>
    %swap3A = arith.constant 0 : index
    %swap3A_142 = arith.constant 0 : index
    %swap3A_143 = vector.load %arg18[%swap3A, %swap3A_142] : memref<512x128xf32, #tpu.memory_space<vmem>>, vector<512x128xf32>
    tpu.vector_store %arg18[%swap3A, %swap3A_142], %add3A_141 {strides = array<i32>} : memref<512x128xf32, #tpu.memory_space<vmem>>, vector<512x128xf32>,
    %mul3A_144 = vector.broadcast %logistic3A_140 : vector<512x1xf32> to vector<512x128xf32>
    %mul3A_145 = arith.mulf %add3A_103, %mul3A_144 : vector<512x128xf32>
    %swap3A_146 = arith.constant 0 : index
    %swap3A_147 = arith.constant 0 : index
    %swap3A_148 = vector.load %arg19[%swap3A_146, %swap3A_147] : memref<512x128xf32, #tpu.memory_space<vmem>>, vector<512x128xf32>
    tpu.vector_store %arg19[%swap3A_146, %swap3A_147], %mul3A_145 {strides = array<i32>} : memref<512x128xf32, #tpu.memory_space<vmem>>, vector<512x128xf32>,
    %mul3A_149 = vector.broadcast %logistic3A_121 : vector<512x1xf32> to vector<512x128xf32>
    %mul3A_150 = arith.mulf %add3A_103, %mul3A_149 : vector<512x128xf32>
    %swap3A_151 = arith.constant 0 : index
    %swap3A_152 = arith.constant 0 : index
    %swap3A_153 = vector.load %arg20[%swap3A_151, %swap3A_152] : memref<512x128xf32, #tpu.memory_space<vmem>>, vector<512x128xf32>
    tpu.vector_store %arg20[%swap3A_151, %swap3A_152], %mul3A_150 {strides = array<i32>} : memref<512x128xf32, #tpu.memory_space<vmem>>, vector<512x128xf32>,
    return
  }
  func.func @transform_0(%arg0: i32) -> (i32, i32) {
    %c0_i32 = arith.constant 0 : i32
    %c0_i32_0 = arith.constant 0 : i32
    return %arg0, %c0_i32 : i32, i32
  }
  func.func @transform_1(%arg0: i32) -> (i32, i32) {
    %c0_i32 = arith.constant 0 : i32
    %c0_i32_0 = arith.constant 0 : i32
    return %arg0, %c0_i32 : i32, i32
  }
  func.func @transform_2(%arg0: i32) -> (i32, i32) {
    %c0_i32 = arith.constant 0 : i32
    %c0_i32_0 = arith.constant 0 : i32
    return %arg0, %c0_i32 : i32, i32
  }
  func.func @transform_3(%arg0: i32) -> (i32, i32) {
    %c0_i32 = arith.constant 0 : i32
    %c0_i32_0 = arith.constant 0 : i32
    %c0_i32_1 = arith.constant 0 : i32
    return %c0_i32, %c0_i32_0 : i32, i32
  }
  func.func @transform_4(%arg0: i32) -> (i32, i32) {
    %c0_i32 = arith.constant 0 : i32
    %c0_i32_0 = arith.constant 0 : i32
    %c0_i32_1 = arith.constant 0 : i32
    return %c0_i32, %c0_i32_0 : i32, i32
  }
  func.func @transform_5(%arg0: i32) -> (i32, i32) {
    %c0_i32 = arith.constant 0 : i32
    %c0_i32_0 = arith.constant 0 : i32
    %c0_i32_1 = arith.constant 0 : i32
    return %c0_i32, %c0_i32_0 : i32, i32
  }
  func.func @transform_6(%arg0: i32) -> (i32, i32) {
    %c0_i32 = arith.constant 0 : i32
    %c0_i32_0 = arith.constant 0 : i32
    %c0_i32_1 = arith.constant 0 : i32
    return %c0_i32, %c0_i32_0 : i32, i32
  }
  func.func @transform_7(%arg0: i32) -> (i32, i32) {
    %c0_i32 = arith.constant 0 : i32
    %c0_i32_0 = arith.constant 0 : i32
    %c0_i32_1 = arith.constant 0 : i32
    return %c0_i32, %c0_i32_0 : i32, i32
  }
  func.func @transform_8(%arg0: i32) -> (i32, i32) {
    %c0_i32 = arith.constant 0 : i32
    %c0_i32_0 = arith.constant 0 : i32
    %c0_i32_1 = arith.constant 0 : i32
    return %c0_i32, %c0_i32_0 : i32, i32
  }
  func.func @transform_9(%arg0: i32) -> (i32, i32) {
    %c0_i32 = arith.constant 0 : i32
    %c0_i32_0 = arith.constant 0 : i32
    %c0_i32_1 = arith.constant 0 : i32
    return %c0_i32, %c0_i32_0 : i32, i32
  }
  func.func @transform_10(%arg0: i32) -> (i32, i32) {
    %c0_i32 = arith.constant 0 : i32
    %c0_i32_0 = arith.constant 0 : i32
    %c0_i32_1 = arith.constant 0 : i32
    return %c0_i32, %c0_i32_0 : i32, i32
  }
  func.func @transform_11(%arg0: i32) -> (i32, i32) {
    %c0_i32 = arith.constant 0 : i32
    %c0_i32_0 = arith.constant 0 : i32
    %c0_i32_1 = arith.constant 0 : i32
    return %c0_i32, %c0_i32_0 : i32, i32
  }
  func.func @transform_12(%arg0: i32) -> (i32, i32) {
    %c0_i32 = arith.constant 0 : i32
    %c0_i32_0 = arith.constant 0 : i32
    %c0_i32_1 = arith.constant 0 : i32
    return %c0_i32, %c0_i32_0 : i32, i32
  }
  func.func @transform_13(%arg0: i32) -> (i32, i32) {
    %c0_i32 = arith.constant 0 : i32
    %c0_i32_0 = arith.constant 0 : i32
    %c0_i32_1 = arith.constant 0 : i32
    return %c0_i32, %c0_i32_0 : i32, i32
  }
  func.func @transform_14(%arg0: i32) -> (i32, i32) {
    %c0_i32 = arith.constant 0 : i32
    %c0_i32_0 = arith.constant 0 : i32
    %c0_i32_1 = arith.constant 0 : i32
    return %c0_i32, %c0_i32_0 : i32, i32
  }
  func.func @transform_15(%arg0: i32) -> (i32, i32) {
    %c0_i32 = arith.constant 0 : i32
    %c0_i32_0 = arith.constant 0 : i32
    %c0_i32_1 = arith.constant 0 : i32
    return %c0_i32, %c0_i32_0 : i32, i32
  }
  func.func @transform_16(%arg0: i32) -> (i32, i32) {
    %c0_i32 = arith.constant 0 : i32
    %c0_i32_0 = arith.constant 0 : i32
    %c0_i32_1 = arith.constant 0 : i32
    return %c0_i32, %c0_i32_0 : i32, i32
  }
  func.func @transform_17(%arg0: i32) -> (i32, i32) {
    %c0_i32 = arith.constant 0 : i32
    %c0_i32_0 = arith.constant 0 : i32
    return %arg0, %c0_i32 : i32, i32
  }
  func.func @transform_18(%arg0: i32) -> (i32, i32) {
    %c0_i32 = arith.constant 0 : i32
    %c0_i32_0 = arith.constant 0 : i32
    return %arg0, %c0_i32 : i32, i32
  }
  func.func @transform_19(%arg0: i32) -> (i32, i32) {
    %c0_i32 = arith.constant 0 : i32
    %c0_i32_0 = arith.constant 0 : i32
    return %arg0, %c0_i32 : i32, i32
  }
}

</mosaic_0001>

<sc_bundles>
// kernel: kernel.6.cloned.1.call-start
scs
__scs_entry_jumppad:
0x0: {  	(pc) =	sbr.rel $0x88, $3  }
0x1: {  	(tag) =	ssettag $0x0;
	lr =	simm.s32 $0x1  }
0x2: {  	[smem:$0x3F89] =	sst lr;
	_ =	strace $0xD0000000  }
0x3: {  	_ = 	snop  }
0x4: {  	_ = 	snop  }
0x5: {  	_ = 	snop  }
0x6: {  	_ = 	snop  }
0x7: {  	_ = 	snop  }
__scs_overlays_trampoline_lowered:
0x8: {  	[smem:$0x3F98] =	sst s0  }
0x9: {  	[smem:$0x3F99] =	sst s1  }
0xa: {  	[smem:$0x3F9A] =	sst s2  }
0xb: {  	[smem:$0x3F9B] =	sst s3  }
0xc: {  	[smem:$0x3F9C] =	sst s4  }
0xd: {  	[smem:$0x3F9D] =	sst s5  }
0xe: {  	[smem:$0x3F9E] =	sst s6  }
0xf: {  	[smem:$0x3F9F] =	sst s7  }
0x10: {  	[smem:$0x3FA0] =	sst s8  }
0x11: {  	[smem:$0x3FA1] =	sst s9;
	s0 =	simm.s32 @!p0 $0x0  }
0x12: {  	s1 =	sld [smem:$0x3F87];
	s0 =	simm.s32 @p0 $0x1  }
0x13: {  	[smem:$0x3FA2] =	sst s0;
	s0 =	simm.s32 @!p1 $0x0  }
0x14: {  	s2 =	sld [smem:$0x3F86];
	s0 =	simm.s32 @p1 $0x1  }
0x15: {  	[smem:$0x3FA3] =	sst s0;
	s0 =	simm.s32 @!p2 $0x0  }
0x16: {  	s3 =	sld [smem:$0x3FDB];
	s0 =	simm.s32 @p2 $0x1  }
0x17: {  	s4 =	simm.s32 $0x1BF5;
	[smem:$0x3FA5] =	sst s0  }
0x18: {  	s0 =	sld [smem:$0x3F88];
	_ =	swait.ge [sflag:s4], $0x0  }
0x19: {  	s7 =	sld [smem:$0x3F89]  }
0x1a: {  	s8 =	sadd.s32 $0xFFFFE003, lr  }
0x1b: {  	s9 =	sadd.s32 $0xFFFFFEF7, lr;
	s5 =	simm.s32 $0xFFFFFFFF;
	p2 =	slt.u32 s8, $0xFFFFF086  }
0x1c: {  	p1 =	slt.u32 s9, $0xF7A;
	s5 =	simm.s32 @!p2 $0x0  }
0x1d: {  	s5 =	simm.s32 @p1 $0x1;
	p0 =	seq.s32 s7, s2  }
0x1e: {  	s7 =	smul.u32 @!p0 $0xF7A, s2;
	p2 =	seq.s32 @!p0 s5, $0x0  }
0x1f: {  	s9 =	smul.u32 $0xF7A, s1;
	s8 =	simm.s32 @!p0 $0x1BF5;
	p2 =	por !p2, p0  }
0x20: {  	[sflag:s8] =	ssyncset.s32 @!p0 $0xFFFFF086;
	s6 =	sadd.s32 @!p0 s3, s7;
	s7 =	simm.s32 @!p0 $0x108  }
0x21: {  	s3 =	sadd.s32 s3, s9;
	s6 =	sadd.s32 @!p0 $0x88, s6;
	s7 =	simm.s32 @p2 $0x1082  }
0x22: {  	[simem:s7], [sflag:s8] =	dma.local @!p0 [hbm:s6], $0xF7A  }
0x23: {  	s9 =	sor.u32 $0xD0000000, s2;
	s6 =	simm.s32 $0x108;
	_ =	swait.ge @!p0 [sflag:s8], $0x0  }
0x24: {  	s3 =	sadd.s32 $0x88, s3;
	s6 =	simm.s32 @!p1 $0x1082;
	[sflag:s4] =	ssyncset.s32 $0xFFFFF086  }
0x25: {  	[simem:s6], [sflag:s4] =	dma.local [hbm:s3], $0xF7A  }
0x26: {  	[smem:$0x3F89] =	sst s1;
	(tag) =	ssettag s2;
	_ =	strace s9  }
0x27: {  	s1 =	sld [smem:$0x3F99]  }
0x28: {  	s2 =	sld [smem:$0x3F9A]  }
0x29: {  	s4 =	sld [smem:$0x3F9C]  }
0x2a: {  	p0 =	seq.s32 s5, $0x0;
	s5 =	sld [smem:$0x3F9D]  }
0x2b: {  	s6 =	sld [smem:$0x3F9E]  }
0x2c: {  	s7 =	sld [smem:$0x3F9F]  }
0x2d: {  	s3 =	simm.s32 $0x108;
	s8 =	sld [smem:$0x3FA0]  }
0x2e: {  	s3 =	simm.s32 @!p0 $0x1082;
	s9 =	sld [smem:$0x3FA1]  }
0x2f: {  	lr =	sadd.s32 s0, s3;
	s0 =	sld [smem:$0x3F98]  }
0x30: {  	s3 =	sld [smem:$0x3F9B]  }
0x31: {  	[smem:$0x3FA4] =	sst s10  }
0x32: {  	s10 =	sld [smem:$0x3FA2];
	_ =	sdelay $0x3  }
0x33: {  	p0 =	seq.s32 s10, $0x1;
	s10 =	sld [smem:$0x3FA4];
	_ =	sdelay $0x3  }
0x34: {  	[smem:$0x3FA4] =	sst s10  }
0x35: {  	s10 =	sld [smem:$0x3FA3];
	_ =	sdelay $0x3  }
0x36: {  	p1 =	seq.s32 s10, $0x1;
	s10 =	sld [smem:$0x3FA4];
	_ =	sdelay $0x3  }
0x37: {  	[smem:$0x3FA4] =	sst s10  }
0x38: {  	s10 =	sld [smem:$0x3FA5]  }
0x39: {  	_ = 	snop;
	(pc) =	sbr.ind lr, $3  }
0x3a: {  	_ = 	snop  }
0x3b: {  	_ = 	snop  }
0x3c: {  	p2 =	seq.s32 s10, $0x1;
	s10 =	sld [smem:$0x3FA4]  }
0x3d: {  	_ =	shalt  }
0x3e: {  	_ =	shalt  }
0x3f: {  	_ =	shalt  }
0x40: {  	_ =	shalt  }
0x41: {  	_ =	shalt  }
0x42: {  	_ =	shalt  }
0x43: {  	_ =	shalt  }
0x44: {  	_ =	shalt  }
0x45: {  	_ =	shalt  }
0x46: {  	_ =	shalt  }
0x47: {  	_ =	shalt  }
0x48: {  	_ =	shalt  }
0x49: {  	_ =	shalt  }
0x4a: {  	_ =	shalt  }
0x4b: {  	_ =	shalt  }
0x4c: {  	_ =	shalt  }
0x4d: {  	_ =	shalt  }
0x4e: {  	_ =	shalt  }
0x4f: {  	_ =	shalt  }
0x50: {  	_ =	shalt  }
0x51: {  	_ =	shalt  }
0x52: {  	_ =	shalt  }
0x53: {  	_ =	shalt  }
0x54: {  	_ =	shalt  }
0x55: {  	_ =	shalt  }
0x56: {  	_ =	shalt  }
0x57: {  	_ =	shalt  }
0x58: {  	_ =	shalt  }
0x59: {  	_ =	shalt  }
0x5a: {  	_ =	shalt  }
0x5b: {  	_ =	shalt  }
0x5c: {  	_ =	shalt  }
0x5d: {  	_ =	shalt  }
0x5e: {  	_ =	shalt  }
0x5f: {  	_ =	shalt  }
0x60: {  	_ =	shalt  }
0x61: {  	_ =	shalt  }
0x62: {  	_ =	shalt  }
0x63: {  	_ =	shalt  }
0x64: {  	_ =	shalt  }
0x65: {  	_ =	shalt  }
0x66: {  	_ =	shalt  }
0x67: {  	_ =	shalt  }
0x68: {  	_ =	shalt  }
0x69: {  	_ =	shalt  }
0x6a: {  	_ =	shalt  }
0x6b: {  	_ =	shalt  }
0x6c: {  	_ =	shalt  }
0x6d: {  	_ =	shalt  }
0x6e: {  	_ =	shalt  }
0x6f: {  	_ =	shalt  }
0x70: {  	_ =	shalt  }
0x71: {  	_ =	shalt  }
0x72: {  	_ =	shalt  }
0x73: {  	_ =	shalt  }
0x74: {  	_ =	shalt  }
0x75: {  	_ =	shalt  }
0x76: {  	_ =	shalt  }
0x77: {  	_ =	shalt  }
0x78: {  	_ =	shalt  }
0x79: {  	_ =	shalt  }
0x7a: {  	_ =	shalt  }
0x7b: {  	_ =	shalt  }
0x7c: {  	_ =	shalt  }
0x7d: {  	_ =	shalt  }
0x7e: {  	_ =	shalt  }
0x7f: {  	_ =	shalt  }
0x80: {  	_ =	shalt  }
0x81: {  	_ =	shalt  }
0x82: {  	_ =	shalt  }
0x83: {  	_ =	shalt  }
0x84: {  	_ =	shalt  }
0x85: {  	_ =	shalt  }
0x86: {  	_ =	shalt  }
0x87: {  	_ =	shalt  }
.Lfunc_end0:
.L_simem_size_0:
called_computation_lowered:
.L_overlay_start_0:
0x88: {  	s2 =	sld [smem:$0x3FD9]  }
0x89: {  	s3 =	sld [smem:$0x3FFE];
	_ =	sdelay $0x1  }
0x8a: {  	s1 =	srdreg.scid  }
0x8b: {  	s0 =	sand.u32 $0x1, s1  }
0x8c: {  	s14 =	sshll.u32 s0, $0xA;
	s2 =	sadd.s32 s3, s2  }
0x8d: {  	s2 =	sadd.s32 s2, s14  }
0x8e: {  	[smem:$0x3FB0] =	sst s2  }
0x8f: {  	_ = 	snop  }
0x90: {  	s2 =	sld [smem:$0x3FD0];
	_ =	sdelay $0x2  }
0x91: {  	s4 =	simm.s32 $0xA;
	s5 =	simm.s32 $0x10;
	s15 =	sld [smem:$0x3FC9]  }
0x92: {  	[smem:s5], [sflag:s4] =	dma.local [hbm:s2], $0x1  }
0x93: {  	_ =	swait.eq [sflag:s4], $0x1  }
0x94: {  	[sflag:s4] =	ssyncset.done $0x0  }
0x95: {  	s16 =	sld [smem:$0x10];
	[sflag:s4] =	ssyncadd.s32 $0xFFFFFFFF  }
0x96: {  	s17 =	sld [smem:$0x11];
	(tm) =	ssettm $0x1  }
0x97: {  	s18 =	sld [smem:$0x3FFB];
	_ =	sdelay $0x3  }
0x98: {  	_ =	strace s18  }
0x99: {  	s5 =	sld [smem:$0x3FFC];
	_ =	sdelay $0x3  }
0x9a: {  	_ =	strace s5  }
0x9b: {  	s5 =	sld [smem:$0x3FFD];
	_ =	sdelay $0x3  }
0x9c: {  	_ =	strace s5  }
0x9d: {  	_ =	strace $0x8FFFFFFF  }
0x9e: {  	s19 =	sld [smem:$0x3FDB];
	_ =	sdelay $0x1  }
0x9f: {  	s6 =	simm.s32 $_scs_section_size  }
0xa0: {  	s7 =	simm.s32 $_size__tile_overlayer_lowered;
	s8 =	simm.s32 $_tile_overlayer_lowered  }
0xa1: {  	s22 =	simm.s32 $0x1BFF;
	s21 =	sshll.u32 s8, $0x1;
	s5 =	sadd.s32 s6, s19  }
0xa2: {  	s9 =	simm.s32 $0x0;
	s20 =	sshll.u32 s7, $0x1;
	s7 =	sadd.s32 s21, s5  }
0xa3: {  	[timem:s9], [sflag:s22] =	dma.local [hbm:s7], s20  }
0xa4: {  	_ =	swait.ge [sflag:s22], s20  }
0xa5: {  	s6 =	ssub.s32 $0x0, s20;
	[sflag:s22] =	ssyncset.done $0x0  }
0xa6: {  	[sflag:s22] =	ssyncadd.s32 s6;
	_ =	sdelay $0x1  }
0xa7: {  	s23 =	simm.s32 $0x1B8B  }
0xa8: {  	_ =	swait.ge [sflag:s23], $0x1  }
0xa9: {  	[sflag:s23] =	ssyncset.done $0x0  }
0xaa: {  	s25 =	simm.s32 $0x1B8E;
	s24 =	sld [smem:$0x3FFE];
	[sflag:s23] =	ssyncadd.s32 $0xFFFFFFFF  }
0xab: {  	s26 =	simm.s32 $execute0_lowered;
	[smem:$0x3FD2] =	sst s25  }
0xac: {  	s7 =	sshll.u32 s26, $0x1;
	_ =	strace $0x80000046;
	[dreg:$0x1] =	wrdreg $0xFFFFFFFF  }
0xad: {  	s28 =	simm.s32 $_size_execute0_lowered;
	s5 =	sadd.s32 s5, s7;
	[dreg:$0x0] =	wrdreg $0x0  }
0xae: {  	s7 =	sshll.u32 s28, $0x1;
	[dreg:$0x2] =	wrdreg s5  }
0xaf: {  	[dreg:$0x3] =	wrdreg s7  }
0xb0: {  	[dreg:$0x4] =	wrdreg $0xC0  }
0xb1: {  	_ =	task [dreg:s9], $0x5FFFF  }
0xb2: {  	[dreg:$0x1] =	wrdreg $0xFFFFFFFF  }
0xb3: {  	[dreg:$0x0] =	wrdreg $0x60  }
0xb4: {  	[dreg:$0x2] =	wrdreg s15  }
0xb5: {  	[dreg:$0x3] =	wrdreg s16  }
0xb6: {  	[dreg:$0x4] =	wrdreg s17  }
0xb7: {  	[dreg:$0x5] =	wrdreg s24  }
0xb8: {  	[dreg:$0x6] =	wrdreg $0x9  }
0xb9: {  	_ =	task.clear_ibuf [dreg:s9], $0x7FFFF;
	_ =	strace $0x90000046  }
0xba: {  	s29 =	simm.s32 $0x9;
	_ =	strace $0x80000048  }
0xbb: {  	_ =	swait.ge [sflag:s29], $0x1  }
0xbc: {  	[sflag:s29] =	ssyncadd.s32 $0xFFFFFFFF  }
0xbd: {  	_ =	strace $0x90000048  }
0xbe: {  	_ =	sfence  }
0xbf: {  	s30 =	sld [smem:$0x0];
	_ =	sdelay $0x2  }
0xc0: {  	s31 =	sshll.u32 s1, $0xD;
	s1 =	sshrl.u32 s1, $0x2  }
0xc1: {  	s3 =	sand.u32 $0x4000, s31;
	s1 =	sadd.s32 s1, s30  }
0xc2: {  	s0 =	sor.u32 s3, s0;
	s1 =	sshll.u32 s1, $0x11  }
0xc3: {  	s0 =	sor.u32 s1, s0  }
0xc4: {  	s0 =	sadd.s32 $0x8F2B, s0  }
0xc5: {  	[sflag:s0] =	ssyncadd.remote.s32 $0x1  }
0xc6: {  	_ =	sfence.sel $0xFFFF  }
0xc7: {  	[dreg:$0x0] =	wrdreg $0xFFFFFFFF;
	(pc) =	sbr.abs _section_cstart, $3  }
0xc8: {  	[dreg:$0x1] =	wrdreg $0xFFFFFFFF  }
0xc9: {  	_ =	task.clear_ibuf [dreg:s9], $0x2FFFF;
	_ =	strace $0x9FFFFFFF  }
0xca: {  	(tm) =	ssettm $0x7FFFFFFF  }
0xcb: {  	_ =	shalt  }
tec
execute0_lowered:
.L_overlay_start_1:
0x0: {  	(tag) =	ssettag $0x1  }
0x1: {  	s1 =	rddreg [dreg:$0x0]  }
0x2: {  	s6 =	rddreg [dreg:$0x1]  }
0x3: {  	s8 =	rddreg [dreg:$0x2]  }
0x4: {  	s3 =	rddreg [dreg:$0x3]  }
0x5: {  	s0 =	rddreg [dreg:$0x4];
	s2 =	simm.s32 $0x0;
	s4 =	srdreg.scid  }
0x6: {  	s16 =	simm.s32 $0x80;
	s17 =	simm.s32 $0x5000;
	s18 =	simm.s32 $0x9000  }
0x7: {  	s19 =	simm.s32 $0x1;
	s20 =	simm.s32 $0x2;
	s21 =	simm.s32 $0x3  }
0x8: {  	s22 =	simm.s32 $0x4;
	s23 =	simm.s32 $0x0;
	[smem:$0x7FF] =	sst s2  }
0x9: {  	s5 =	sand.u32 $0x1, s4;
	s11 =	sadd.s32 $0x4000, s3;
	s13 =	sadd.s32 $0x4E6000, s3  }
0xa: {  	s3 =	stileid.u32;
	s4 =	simm.s32 $0x31;
	_ =	strace $0x80000047  }
0xb: {  	s7 =	ssub.s32 $0x2, s5;
	p0 =	seq.s32 s3, $0xF;
	s10 =	smul.u32 $0xA00, s3  }
0xc: {  	s12 =	smul.u32 $0x50000, s3;
	p1 =	seq.s32 s5, $0x1;
	s9 =	sshrl.u32 s7, $0x1  }
.Ltmp0:
0xd: {  	s4 =	simm.s32 @!p0 $0x4F;
	s9 =	ssub.s32 s7, s9;
	(pc) =	sbr.rel .LBB2_1-.Ltmp0, $4  }
0xe: {  	s5 =	sadd.s32 s6, s10;
	s6 =	sadd.s32 $0x9600, s6;
	s7 =	sadd.s32 s8, s10  }
0xf: {  	s8 =	sadd.s32 $0x9600, s8;
	s14 =	sor.u32 $0x800, s12;
	s10 =	sadd.s32 s11, s12  }
0x10: {  	s12 =	sadd.s32 s13, s12;
	s9 =	smax.u32 s9, $0x1;
	s11 =	sadd.s32 s11, s14  }
0x11: {  	s13 =	sadd.s32 s13, s14;
	s14 =	sadd.s32 $0x1800, s10;
	s15 =	sadd.s32 $0x1800, s12  }
.LBB2_4:
0x12: {  	[hbm4b:s28+s2] =	stream.linear.scatter [tilespmem:s18], [sflag:$0x4], $0x4000, $0x38;
	[tilespmem:$0xD000] =	vst v63  }
.LBB2_8:
0x13: {  	s23 =	sadd.s32 $0x1, s23  }
0x14: {  	_ =	swait.ge [sflag:s21], $0x4000;
	p2 =	sne.s32 s23, s9  }
.Ltmp1:
0x15: {  	[sflag:s21] =	ssyncset.done $0x0;
	(pc) =	sbr.rel @!p2 .LBB2_9-.Ltmp1, $4  }
0x16: {  	[sflag:s21] =	ssyncadd.s32 $0xFFFFC000  }
0x17: {  	_ =	swait.ge [sflag:s22], $0x4000  }
0x18: {  	[sflag:s22] =	ssyncset.done $0x0  }
0x19: {  	[sflag:s22] =	ssyncadd.s32 $0xFFFFC000  }
.LBB2_1:
.Ltmp2:
0x1a: {  	(pc) =	sbr.rel @!p1 .LBB2_2-.Ltmp2, $1  }
0x1b: {  	_ =	sdelay $0x3  }
0x1c: {  	s24 =	simm.s32 @p0 $0x0  }
0x1d: {  	[tilespmem:s24], [sflag:$0x5] =	stream.linear.gather @p0 [hbm4b:s8+s24], $0x3400, $0x38;
	[tilespmem:$0xD000] =	vst v63  }
0x1e: {  	s24 =	simm.s32 @p0 $0x5  }
0x1f: {  	_ =	swait.ge @p0 [sflag:s24], $0x3400  }
0x20: {  	[sflag:s24] =	ssyncset.done @p0 $0x0  }
0x21: {  	[sflag:s24] =	ssyncadd.s32 @p0 $0xFFFFCC00;
	s24 =	simm.s32 @!p0 $0x0  }
0x22: {  	[tilespmem:s24], [sflag:$0x5] =	stream.linear.gather @!p0 [hbm4b:s7+s24], $0x5000, $0x38;
	[tilespmem:$0xD000] =	vst v63  }
0x23: {  	s24 =	simm.s32 @!p0 $0x5  }
0x24: {  	_ =	swait.ge @!p0 [sflag:s24], $0x5000  }
0x25: {  	[sflag:s24] =	ssyncset.done @!p0 $0x0  }
0x26: {  	[sflag:s24] =	ssyncadd.s32 @!p0 $0xFFFFB000  }
0x27: {  	[tilespmem:s17], [sflag:$0x1] =	stream.indirect.gather [hbm4b:s1+s16], $0x80, s2, s16, $0xb8;
	[tilespmem:$0xD000] =	vst v63  }
0x28: {  	_ = 	snop  }
0x29: {  	[tilespmem:s18], [sflag:$0x2] =	stream.indirect.gather [hbm4b:s1+s16], $0x80, s16, s16, $0xb8;
	[tilespmem:$0xD000] =	vst v63  }
0x2a: {  	_ =	swait.ge [sflag:s19], $0x4000  }
0x2b: {  	[sflag:s19] =	ssyncset.done $0x0  }
0x2c: {  	[sflag:s19] =	ssyncadd.s32 $0xFFFFC000  }
0x2d: {  	[hbm4b:s12+s2] =	stream.linear.scatter [tilespmem:s17], [sflag:$0x3], $0x4000, $0x38;
	[tilespmem:$0xD000] =	vst v63  }
0x2e: {  	_ =	swait.ge [sflag:s20], $0x4000  }
0x2f: {  	[sflag:s20] =	ssyncset.done $0x0  }
0x30: {  	[sflag:s20] =	ssyncadd.s32 $0xFFFFC000  }
0x31: {  	[hbm4b:s13+s2] =	stream.linear.scatter [tilespmem:s18], [sflag:$0x4], $0x4000, $0x38;
	[tilespmem:$0xD000] =	vst v63  }
0x32: {  	_ =	swait.ge [sflag:s21], $0x4000  }
0x33: {  	[sflag:s21] =	ssyncset.done $0x0  }
0x34: {  	s29 =	simm.s32 $0x100;
	[sflag:s21] =	ssyncadd.s32 $0xFFFFC000  }
0x35: {  	[tilespmem:s17], [sflag:$0x1] =	stream.indirect.gather [hbm4b:s1+s16], $0x80, s29, s16, $0xb8;
	[tilespmem:$0xD000] =	vst v63  }
0x36: {  	_ =	swait.ge [sflag:s22], $0x4000  }
0x37: {  	[sflag:s22] =	ssyncset.done $0x0  }
0x38: {  	s30 =	simm.s32 $0x180;
	[sflag:s22] =	ssyncadd.s32 $0xFFFFC000  }
0x39: {  	[tilespmem:s18], [sflag:$0x2] =	stream.indirect.gather [hbm4b:s1+s16], $0x80, s30, s16, $0xb8;
	[tilespmem:$0xD000] =	vst v63  }
0x3a: {  	_ =	swait.ge [sflag:s19], $0x4000  }
0x3b: {  	p2 =	sne.s32 s4, $0x1;
	[sflag:s19] =	ssyncset.done $0x0  }
.Ltmp3:
0x3c: {  	s31 =	sadd.s32 $0xFFFFF800, s15;
	[sflag:s19] =	ssyncadd.s32 $0xFFFFC000;
	(pc) =	sbr.rel @!p2 .LBB2_7-.Ltmp3, $4  }
0x3d: {  	[hbm4b:s31+s2] =	stream.linear.scatter [tilespmem:s17], [sflag:$0x3], $0x4000, $0x38;
	[tilespmem:$0xD000] =	vst v63  }
0x3e: {  	_ =	swait.ge [sflag:s20], $0x4000  }
0x3f: {  	s25 =	simm.s32 $0x200;
	s26 =	sadd.s32 $0x1000, s15;
	[sflag:s20] =	ssyncset.done $0x0  }
0x40: {  	s28 =	smov.u32 s15;
	s24 =	sadd.s32 $0xFFFFFFFF, s4;
	[sflag:s20] =	ssyncadd.s32 $0xFFFFC000  }
.LBB2_6:
0x41: {  	[hbm4b:s28+s2] =	stream.linear.scatter [tilespmem:s18], [sflag:$0x4], $0x4000, $0x38;
	[tilespmem:$0xD000] =	vst v63  }
0x42: {  	p2 =	sne.s32 s24, $0x1;
	s24 =	sadd.s32 $0xFFFFFFFF, s24;
	_ =	swait.ge [sflag:s21], $0x4000  }
0x43: {  	s28 =	smov.u32 s26;
	[sflag:s21] =	ssyncset.done $0x0  }
0x44: {  	[sflag:s21] =	ssyncadd.s32 $0xFFFFC000  }
0x45: {  	[tilespmem:s17], [sflag:$0x1] =	stream.indirect.gather [hbm4b:s1+s16], $0x80, s25, s16, $0xb8;
	[tilespmem:$0xD000] =	vst v63  }
0x46: {  	_ =	swait.ge [sflag:s22], $0x4000  }
0x47: {  	[sflag:s22] =	ssyncset.done $0x0  }
0x48: {  	s29 =	sadd.s32 $0x80, s25;
	[sflag:s22] =	ssyncadd.s32 $0xFFFFC000  }
0x49: {  	[tilespmem:s18], [sflag:$0x2] =	stream.indirect.gather [hbm4b:s1+s16], $0x80, s29, s16, $0xb8;
	[tilespmem:$0xD000] =	vst v63  }
0x4a: {  	_ =	swait.ge [sflag:s19], $0x4000  }
0x4b: {  	[sflag:s19] =	ssyncset.done $0x0  }
.Ltmp4:
0x4c: {  	s29 =	sadd.s32 $0xFFFFF800, s26;
	[sflag:s19] =	ssyncadd.s32 $0xFFFFC000;
	(pc) =	sbr.rel @p2 .LBB2_6-.Ltmp4, $4  }
0x4d: {  	[hbm4b:s29+s2] =	stream.linear.scatter [tilespmem:s17], [sflag:$0x3], $0x4000, $0x38;
	[tilespmem:$0xD000] =	vst v63  }
0x4e: {  	_ =	swait.ge [sflag:s20], $0x4000  }
0x4f: {  	[sflag:s20] =	ssyncset.done $0x0  }
0x50: {  	s25 =	sadd.s32 $0x100, s25;
	s26 =	sadd.s32 $0x1000, s26;
	[sflag:s20] =	ssyncadd.s32 $0xFFFFC000  }
.LBB2_7:
.Ltmp5:
0x51: {  	(pc) =	sbr.rel .LBB2_8-.Ltmp5, $2  }
0x52: {  	_ =	sdelay $0x2  }
0x53: {  	[hbm4b:s28+s2] =	stream.linear.scatter [tilespmem:s18], [sflag:$0x4], $0x4000, $0x38;
	[tilespmem:$0xD000] =	vst v63  }
.LBB2_2:
0x54: {  	s24 =	simm.s32 @p0 $0x0  }
0x55: {  	[tilespmem:s24], [sflag:$0x5] =	stream.linear.gather @p0 [hbm4b:s6+s24], $0x3400, $0x38;
	[tilespmem:$0xD000] =	vst v63  }
0x56: {  	s24 =	simm.s32 @p0 $0x5  }
0x57: {  	_ =	swait.ge @p0 [sflag:s24], $0x3400  }
0x58: {  	[sflag:s24] =	ssyncset.done @p0 $0x0  }
0x59: {  	[sflag:s24] =	ssyncadd.s32 @p0 $0xFFFFCC00;
	s24 =	simm.s32 @!p0 $0x0  }
0x5a: {  	[tilespmem:s24], [sflag:$0x5] =	stream.linear.gather @!p0 [hbm4b:s5+s24], $0x5000, $0x38;
	[tilespmem:$0xD000] =	vst v63  }
0x5b: {  	s24 =	simm.s32 @!p0 $0x5  }
0x5c: {  	_ =	swait.ge @!p0 [sflag:s24], $0x5000  }
0x5d: {  	[sflag:s24] =	ssyncset.done @!p0 $0x0  }
0x5e: {  	[sflag:s24] =	ssyncadd.s32 @!p0 $0xFFFFB000  }
0x5f: {  	[tilespmem:s17], [sflag:$0x1] =	stream.indirect.gather [hbm4b:s1+s16], $0x80, s2, s16, $0xb8;
	[tilespmem:$0xD000] =	vst v63  }
0x60: {  	_ = 	snop  }
0x61: {  	[tilespmem:s18], [sflag:$0x2] =	stream.indirect.gather [hbm4b:s1+s16], $0x80, s16, s16, $0xb8;
	[tilespmem:$0xD000] =	vst v63  }
0x62: {  	_ =	swait.ge [sflag:s19], $0x4000  }
0x63: {  	[sflag:s19] =	ssyncset.done $0x0  }
0x64: {  	[sflag:s19] =	ssyncadd.s32 $0xFFFFC000  }
0x65: {  	[hbm4b:s10+s2] =	stream.linear.scatter [tilespmem:s17], [sflag:$0x3], $0x4000, $0x38;
	[tilespmem:$0xD000] =	vst v63  }
0x66: {  	_ =	swait.ge [sflag:s20], $0x4000  }
0x67: {  	[sflag:s20] =	ssyncset.done $0x0  }
0x68: {  	[sflag:s20] =	ssyncadd.s32 $0xFFFFC000  }
0x69: {  	[hbm4b:s11+s2] =	stream.linear.scatter [tilespmem:s18], [sflag:$0x4], $0x4000, $0x38;
	[tilespmem:$0xD000] =	vst v63  }
0x6a: {  	_ =	swait.ge [sflag:s21], $0x4000  }
0x6b: {  	[sflag:s21] =	ssyncset.done $0x0  }
0x6c: {  	s29 =	simm.s32 $0x100;
	[sflag:s21] =	ssyncadd.s32 $0xFFFFC000  }
0x6d: {  	[tilespmem:s17], [sflag:$0x1] =	stream.indirect.gather [hbm4b:s1+s16], $0x80, s29, s16, $0xb8;
	[tilespmem:$0xD000] =	vst v63  }
0x6e: {  	_ =	swait.ge [sflag:s22], $0x4000  }
0x6f: {  	[sflag:s22] =	ssyncset.done $0x0  }
0x70: {  	s30 =	simm.s32 $0x180;
	[sflag:s22] =	ssyncadd.s32 $0xFFFFC000  }
0x71: {  	[tilespmem:s18], [sflag:$0x2] =	stream.indirect.gather [hbm4b:s1+s16], $0x80, s30, s16, $0xb8;
	[tilespmem:$0xD000] =	vst v63  }
0x72: {  	_ =	swait.ge [sflag:s19], $0x4000  }
0x73: {  	p2 =	seq.s32 s4, $0x1;
	[sflag:s19] =	ssyncset.done $0x0  }
.Ltmp6:
0x74: {  	s31 =	sadd.s32 $0xFFFFF800, s14;
	[sflag:s19] =	ssyncadd.s32 $0xFFFFC000;
	(pc) =	sbr.rel @p2 .LBB2_4-.Ltmp6, $4  }
0x75: {  	[hbm4b:s31+s2] =	stream.linear.scatter [tilespmem:s17], [sflag:$0x3], $0x4000, $0x38;
	[tilespmem:$0xD000] =	vst v63  }
0x76: {  	_ =	swait.ge [sflag:s20], $0x4000  }
0x77: {  	s25 =	simm.s32 $0x200;
	s26 =	sadd.s32 $0x1000, s14;
	[sflag:s20] =	ssyncset.done $0x0  }
0x78: {  	s28 =	smov.u32 s14;
	s24 =	sadd.s32 $0xFFFFFFFF, s4;
	[sflag:s20] =	ssyncadd.s32 $0xFFFFC000  }
.LBB2_3:
0x79: {  	[hbm4b:s28+s2] =	stream.linear.scatter [tilespmem:s18], [sflag:$0x4], $0x4000, $0x38;
	[tilespmem:$0xD000] =	vst v63  }
0x7a: {  	p2 =	seq.s32 s24, $0x1;
	s24 =	sadd.s32 $0xFFFFFFFF, s24;
	_ =	swait.ge [sflag:s21], $0x4000  }
0x7b: {  	s28 =	smov.u32 s26;
	[sflag:s21] =	ssyncset.done $0x0  }
0x7c: {  	[sflag:s21] =	ssyncadd.s32 $0xFFFFC000  }
0x7d: {  	[tilespmem:s17], [sflag:$0x1] =	stream.indirect.gather [hbm4b:s1+s16], $0x80, s25, s16, $0xb8;
	[tilespmem:$0xD000] =	vst v63  }
0x7e: {  	_ =	swait.ge [sflag:s22], $0x4000  }
0x7f: {  	[sflag:s22] =	ssyncset.done $0x0  }
0x80: {  	s29 =	sadd.s32 $0x80, s25;
	[sflag:s22] =	ssyncadd.s32 $0xFFFFC000  }
0x81: {  	[tilespmem:s18], [sflag:$0x2] =	stream.indirect.gather [hbm4b:s1+s16], $0x80, s29, s16, $0xb8;
	[tilespmem:$0xD000] =	vst v63  }
0x82: {  	_ =	swait.ge [sflag:s19], $0x4000  }
0x83: {  	[sflag:s19] =	ssyncset.done $0x0  }
.Ltmp7:
0x84: {  	s29 =	sadd.s32 $0xFFFFF800, s26;
	[sflag:s19] =	ssyncadd.s32 $0xFFFFC000;
	(pc) =	sbr.rel @!p2 .LBB2_3-.Ltmp7, $4  }
0x85: {  	[hbm4b:s29+s2] =	stream.linear.scatter [tilespmem:s17], [sflag:$0x3], $0x4000, $0x38;
	[tilespmem:$0xD000] =	vst v63  }
0x86: {  	_ =	swait.ge [sflag:s20], $0x4000  }
0x87: {  	[sflag:s20] =	ssyncset.done $0x0  }
0x88: {  	s25 =	sadd.s32 $0x100, s25;
	s26 =	sadd.s32 $0x1000, s26;
	[sflag:s20] =	ssyncadd.s32 $0xFFFFC000  }
.Ltmp8:
0x89: {  	_ = 	snop;
	(pc) =	sbr.rel .LBB2_4-.Ltmp8, $1  }
0x8a: {  	_ =	sdelay $0x3  }
.LBB2_9:
0x8b: {  	_ =	sfence.sel $0x180000  }
0x8c: {  	[bflag:$0x0] =	sbarrier.arrive $0xFFFF  }
0x8d: {  	p0 =	sne.s32 s3, $0x0;
	_ =	strace $0x90000047  }
0x8e: {  	s0 =	sadd.s32 @!p0 $0x100000, s0;
	[bflag:$0x2] =	sbarrier.arrive $0xFFFF  }
0x8f: {  	[sflag:s0] =	ssyncadd.tile.s32 @!p0 $0x1;
	_ =	shalt  }
.Lfunc_end2:
_tile_overlayer_lowered:
.L_overlay_start_2:
0x90: {  	(tag) =	ssettag $0x2  }
0x91: {  	s0 =	rddreg [dreg:$0x0];
	s2 =	stileid.u32  }
0x92: {  	s1 =	rddreg [dreg:$0x1];
	p0 =	sne.s32 s2, $0x0  }
0x93: {  	s3 =	rddreg [dreg:$0x2];
	[bflag:$0x3] =	sbarrier.arrive $0xFFFF;
	s2 =	simm.s32 @!p0 $0x1C05  }
0x94: {  	[timem:s3], [sflag:s2] =	dma.local @!p0 [hbm:s0], s1  }
0x95: {  	s0 =	simm.s32 @!p0 $0x5  }
0x96: {  	_ =	swait.ge @!p0 [sflag:s0], s1  }
0x97: {  	s1 =	ssub.s32 @!p0 $0x0, s1;
	[sflag:s0] =	ssyncset.done @!p0 $0x0  }
0x98: {  	[sflag:s0] =	ssyncadd.s32 @!p0 s1  }
0x99: {  	[bflag:$0x3] =	sbarrier.arrive $0xFFFF  }
0x9a: {  	_ =	shalt  }

// kernel: kernel.9.cloned.1.call-start
scs
__scs_entry_jumppad:
0x0: {  	(pc) =	sbr.rel $0x88, $3  }
0x1: {  	(tag) =	ssettag $0x0;
	lr =	simm.s32 $0x1  }
0x2: {  	[smem:$0x3F89] =	sst lr;
	_ =	strace $0xD0000000  }
0x3: {  	_ = 	snop  }
0x4: {  	_ = 	snop  }
0x5: {  	_ = 	snop  }
0x6: {  	_ = 	snop  }
0x7: {  	_ = 	snop  }
__scs_overlays_trampoline_lowered:
0x8: {  	[smem:$0x3F98] =	sst s0  }
0x9: {  	[smem:$0x3F99] =	sst s1  }
0xa: {  	[smem:$0x3F9A] =	sst s2  }
0xb: {  	[smem:$0x3F9B] =	sst s3  }
0xc: {  	[smem:$0x3F9C] =	sst s4  }
0xd: {  	[smem:$0x3F9D] =	sst s5  }
0xe: {  	[smem:$0x3F9E] =	sst s6  }
0xf: {  	[smem:$0x3F9F] =	sst s7  }
0x10: {  	[smem:$0x3FA0] =	sst s8  }
0x11: {  	[smem:$0x3FA1] =	sst s9;
	s0 =	simm.s32 @!p0 $0x0  }
0x12: {  	s1 =	sld [smem:$0x3F87];
	s0 =	simm.s32 @p0 $0x1  }
0x13: {  	[smem:$0x3FA2] =	sst s0;
	s0 =	simm.s32 @!p1 $0x0  }
0x14: {  	s2 =	sld [smem:$0x3F86];
	s0 =	simm.s32 @p1 $0x1  }
0x15: {  	[smem:$0x3FA3] =	sst s0;
	s0 =	simm.s32 @!p2 $0x0  }
0x16: {  	s3 =	sld [smem:$0x3FDB];
	s0 =	simm.s32 @p2 $0x1  }
0x17: {  	s4 =	simm.s32 $0x1BF5;
	[smem:$0x3FA5] =	sst s0  }
0x18: {  	s0 =	sld [smem:$0x3F88];
	_ =	swait.ge [sflag:s4], $0x0  }
0x19: {  	s7 =	sld [smem:$0x3F89]  }
0x1a: {  	s8 =	sadd.s32 $0xFFFFE003, lr  }
0x1b: {  	s9 =	sadd.s32 $0xFFFFFEF7, lr;
	s5 =	simm.s32 $0xFFFFFFFF;
	p2 =	slt.u32 s8, $0xFFFFF086  }
0x1c: {  	p1 =	slt.u32 s9, $0xF7A;
	s5 =	simm.s32 @!p2 $0x0  }
0x1d: {  	s5 =	simm.s32 @p1 $0x1;
	p0 =	seq.s32 s7, s2  }
0x1e: {  	s7 =	smul.u32 @!p0 $0xF7A, s2;
	p2 =	seq.s32 @!p0 s5, $0x0  }
0x1f: {  	s9 =	smul.u32 $0xF7A, s1;
	s8 =	simm.s32 @!p0 $0x1BF5;
	p2 =	por !p2, p0  }
0x20: {  	[sflag:s8] =	ssyncset.s32 @!p0 $0xFFFFF086;
	s6 =	sadd.s32 @!p0 s3, s7;
	s7 =	simm.s32 @!p0 $0x108  }
0x21: {  	s3 =	sadd.s32 s3, s9;
	s6 =	sadd.s32 @!p0 $0x88, s6;
	s7 =	simm.s32 @p2 $0x1082  }
0x22: {  	[simem:s7], [sflag:s8] =	dma.local @!p0 [hbm:s6], $0xF7A  }
0x23: {  	s9 =	sor.u32 $0xD0000000, s2;
	s6 =	simm.s32 $0x108;
	_ =	swait.ge @!p0 [sflag:s8], $0x0  }
0x24: {  	s3 =	sadd.s32 $0x88, s3;
	s6 =	simm.s32 @!p1 $0x1082;
	[sflag:s4] =	ssyncset.s32 $0xFFFFF086  }
0x25: {  	[simem:s6], [sflag:s4] =	dma.local [hbm:s3], $0xF7A  }
0x26: {  	[smem:$0x3F89] =	sst s1;
	(tag) =	ssettag s2;
	_ =	strace s9  }
0x27: {  	s1 =	sld [smem:$0x3F99]  }
0x28: {  	s2 =	sld [smem:$0x3F9A]  }
0x29: {  	s4 =	sld [smem:$0x3F9C]  }
0x2a: {  	p0 =	seq.s32 s5, $0x0;
	s5 =	sld [smem:$0x3F9D]  }
0x2b: {  	s6 =	sld [smem:$0x3F9E]  }
0x2c: {  	s7 =	sld [smem:$0x3F9F]  }
0x2d: {  	s3 =	simm.s32 $0x108;
	s8 =	sld [smem:$0x3FA0]  }
0x2e: {  	s3 =	simm.s32 @!p0 $0x1082;
	s9 =	sld [smem:$0x3FA1]  }
0x2f: {  	lr =	sadd.s32 s0, s3;
	s0 =	sld [smem:$0x3F98]  }
0x30: {  	s3 =	sld [smem:$0x3F9B]  }
0x31: {  	[smem:$0x3FA4] =	sst s10  }
0x32: {  	s10 =	sld [smem:$0x3FA2];
	_ =	sdelay $0x3  }
0x33: {  	p0 =	seq.s32 s10, $0x1;
	s10 =	sld [smem:$0x3FA4];
	_ =	sdelay $0x3  }
0x34: {  	[smem:$0x3FA4] =	sst s10  }
0x35: {  	s10 =	sld [smem:$0x3FA3];
	_ =	sdelay $0x3  }
0x36: {  	p1 =	seq.s32 s10, $0x1;
	s10 =	sld [smem:$0x3FA4];
	_ =	sdelay $0x3  }
0x37: {  	[smem:$0x3FA4] =	sst s10  }
0x38: {  	s10 =	sld [smem:$0x3FA5]  }
0x39: {  	_ = 	snop;
	(pc) =	sbr.ind lr, $3  }
0x3a: {  	_ = 	snop  }
0x3b: {  	_ = 	snop  }
0x3c: {  	p2 =	seq.s32 s10, $0x1;
	s10 =	sld [smem:$0x3FA4]  }
0x3d: {  	_ =	shalt  }
0x3e: {  	_ =	shalt  }
0x3f: {  	_ =	shalt  }
0x40: {  	_ =	shalt  }
0x41: {  	_ =	shalt  }
0x42: {  	_ =	shalt  }
0x43: {  	_ =	shalt  }
0x44: {  	_ =	shalt  }
0x45: {  	_ =	shalt  }
0x46: {  	_ =	shalt  }
0x47: {  	_ =	shalt  }
0x48: {  	_ =	shalt  }
0x49: {  	_ =	shalt  }
0x4a: {  	_ =	shalt  }
0x4b: {  	_ =	shalt  }
0x4c: {  	_ =	shalt  }
0x4d: {  	_ =	shalt  }
0x4e: {  	_ =	shalt  }
0x4f: {  	_ =	shalt  }
0x50: {  	_ =	shalt  }
0x51: {  	_ =	shalt  }
0x52: {  	_ =	shalt  }
0x53: {  	_ =	shalt  }
0x54: {  	_ =	shalt  }
0x55: {  	_ =	shalt  }
0x56: {  	_ =	shalt  }
0x57: {  	_ =	shalt  }
0x58: {  	_ =	shalt  }
0x59: {  	_ =	shalt  }
0x5a: {  	_ =	shalt  }
0x5b: {  	_ =	shalt  }
0x5c: {  	_ =	shalt  }
0x5d: {  	_ =	shalt  }
0x5e: {  	_ =	shalt  }
0x5f: {  	_ =	shalt  }
0x60: {  	_ =	shalt  }
0x61: {  	_ =	shalt  }
0x62: {  	_ =	shalt  }
0x63: {  	_ =	shalt  }
0x64: {  	_ =	shalt  }
0x65: {  	_ =	shalt  }
0x66: {  	_ =	shalt  }
0x67: {  	_ =	shalt  }
0x68: {  	_ =	shalt  }
0x69: {  	_ =	shalt  }
0x6a: {  	_ =	shalt  }
0x6b: {  	_ =	shalt  }
0x6c: {  	_ =	shalt  }
0x6d: {  	_ =	shalt  }
0x6e: {  	_ =	shalt  }
0x6f: {  	_ =	shalt  }
0x70: {  	_ =	shalt  }
0x71: {  	_ =	shalt  }
0x72: {  	_ =	shalt  }
0x73: {  	_ =	shalt  }
0x74: {  	_ =	shalt  }
0x75: {  	_ =	shalt  }
0x76: {  	_ =	shalt  }
0x77: {  	_ =	shalt  }
0x78: {  	_ =	shalt  }
0x79: {  	_ =	shalt  }
0x7a: {  	_ =	shalt  }
0x7b: {  	_ =	shalt  }
0x7c: {  	_ =	shalt  }
0x7d: {  	_ =	shalt  }
0x7e: {  	_ =	shalt  }
0x7f: {  	_ =	shalt  }
0x80: {  	_ =	shalt  }
0x81: {  	_ =	shalt  }
0x82: {  	_ =	shalt  }
0x83: {  	_ =	shalt  }
0x84: {  	_ =	shalt  }
0x85: {  	_ =	shalt  }
0x86: {  	_ =	shalt  }
0x87: {  	_ =	shalt  }
.Lfunc_end0:
.L_simem_size_0:
called_computation.1_lowered:
.L_overlay_start_0:
0x88: {  	s2 =	sld [smem:$0x3FD9]  }
0x89: {  	s3 =	sld [smem:$0x3FFE];
	_ =	sdelay $0x1  }
0x8a: {  	s1 =	srdreg.scid  }
0x8b: {  	s0 =	sand.u32 $0x1, s1  }
0x8c: {  	s14 =	sshll.u32 s0, $0xA;
	s2 =	sadd.s32 s3, s2  }
0x8d: {  	s2 =	sadd.s32 s2, s14  }
0x8e: {  	[smem:$0x3FB0] =	sst s2  }
0x8f: {  	_ = 	snop  }
0x90: {  	s2 =	sld [smem:$0x3FD0];
	_ =	sdelay $0x1  }
0x91: {  	s15 =	sld [smem:$0x3FC7]  }
0x92: {  	s5 =	simm.s32 $0xA;
	s6 =	simm.s32 $0x10;
	s4 =	sld [smem:$0x3FC6]  }
0x93: {  	[smem:s6], [sflag:s5] =	dma.local [hbm:s2], $0x1  }
0x94: {  	_ =	swait.eq [sflag:s5], $0x1  }
0x95: {  	[sflag:s5] =	ssyncset.done $0x0  }
0x96: {  	[sflag:s5] =	ssyncadd.s32 $0xFFFFFFFF  }
0x97: {  	s16 =	sld [smem:$0x10];
	(tm) =	ssettm $0x1  }
0x98: {  	s17 =	sld [smem:$0x3FFB];
	_ =	sdelay $0x3  }
0x99: {  	_ =	strace s17  }
0x9a: {  	s5 =	sld [smem:$0x3FFC];
	_ =	sdelay $0x3  }
0x9b: {  	_ =	strace s5  }
0x9c: {  	s5 =	sld [smem:$0x3FFD];
	_ =	sdelay $0x3  }
0x9d: {  	_ =	strace s5  }
0x9e: {  	_ =	strace $0x8FFFFFFF  }
0x9f: {  	s18 =	sld [smem:$0x3FDB];
	_ =	sdelay $0x1  }
0xa0: {  	s19 =	simm.s32 $_scs_section_size  }
0xa1: {  	s7 =	simm.s32 $_size__tile_overlayer_lowered;
	s8 =	simm.s32 $_tile_overlayer_lowered  }
0xa2: {  	s22 =	simm.s32 $0x1BFF;
	s21 =	sshll.u32 s8, $0x1;
	s5 =	sadd.s32 s19, s18  }
0xa3: {  	s9 =	simm.s32 $0x0;
	s20 =	sshll.u32 s7, $0x1;
	s7 =	sadd.s32 s21, s5  }
0xa4: {  	[timem:s9], [sflag:s22] =	dma.local [hbm:s7], s20  }
0xa5: {  	_ =	swait.ge [sflag:s22], s20  }
0xa6: {  	s6 =	ssub.s32 $0x0, s20;
	[sflag:s22] =	ssyncset.done $0x0  }
0xa7: {  	[sflag:s22] =	ssyncadd.s32 s6;
	_ =	sdelay $0x1  }
0xa8: {  	s23 =	simm.s32 $0x1B8B  }
0xa9: {  	_ =	swait.ge [sflag:s23], $0x1  }
0xaa: {  	[sflag:s23] =	ssyncset.done $0x0  }
0xab: {  	s25 =	simm.s32 $0x1B8E;
	s24 =	sld [smem:$0x3FFE];
	[sflag:s23] =	ssyncadd.s32 $0xFFFFFFFF  }
0xac: {  	s26 =	simm.s32 $execute0_lowered;
	[smem:$0x3FD2] =	sst s25  }
0xad: {  	s7 =	sshll.u32 s26, $0x1;
	_ =	strace $0x80000049;
	[dreg:$0x1] =	wrdreg $0xFFFFFFFF  }
0xae: {  	s28 =	simm.s32 $_size_execute0_lowered;
	s5 =	sadd.s32 s5, s7;
	[dreg:$0x0] =	wrdreg $0x0  }
0xaf: {  	s7 =	sshll.u32 s28, $0x1;
	[dreg:$0x2] =	wrdreg s5  }
0xb0: {  	[dreg:$0x3] =	wrdreg s7  }
0xb1: {  	[dreg:$0x4] =	wrdreg $0xC0  }
0xb2: {  	_ =	task [dreg:s9], $0x5FFFF  }
0xb3: {  	[dreg:$0x1] =	wrdreg $0xFFFFFFFF  }
0xb4: {  	[dreg:$0x0] =	wrdreg $0x60  }
0xb5: {  	[dreg:$0x2] =	wrdreg s24  }
0xb6: {  	[dreg:$0x3] =	wrdreg s15  }
0xb7: {  	[dreg:$0x4] =	wrdreg s4  }
0xb8: {  	[dreg:$0x5] =	wrdreg s16  }
0xb9: {  	[dreg:$0x6] =	wrdreg $0x81000  }
0xba: {  	[dreg:$0x7] =	wrdreg $0x9  }
0xbb: {  	_ =	task.clear_ibuf [dreg:s9], $0x8FFFF;
	_ =	strace $0x90000049  }
0xbc: {  	s29 =	simm.s32 $0x9;
	_ =	strace $0x8000004B  }
0xbd: {  	_ =	swait.ge [sflag:s29], $0x1  }
0xbe: {  	[sflag:s29] =	ssyncadd.s32 $0xFFFFFFFF  }
0xbf: {  	_ =	strace $0x9000004B  }
0xc0: {  	_ =	sfence  }
0xc1: {  	s30 =	sld [smem:$0x0];
	_ =	sdelay $0x2  }
0xc2: {  	s31 =	sshll.u32 s1, $0xD;
	s1 =	sshrl.u32 s1, $0x2  }
0xc3: {  	s3 =	sand.u32 $0x4000, s31;
	s1 =	sadd.s32 s1, s30  }
0xc4: {  	s0 =	sor.u32 s3, s0;
	s1 =	sshll.u32 s1, $0x11  }
0xc5: {  	s0 =	sor.u32 s1, s0  }
0xc6: {  	s0 =	sadd.s32 $0x8F2B, s0  }
0xc7: {  	[sflag:s0] =	ssyncadd.remote.s32 $0x1  }
0xc8: {  	_ =	sfence.sel $0xFFFF  }
0xc9: {  	[dreg:$0x0] =	wrdreg $0xFFFFFFFF;
	(pc) =	sbr.abs _section_cstart, $3  }
0xca: {  	[dreg:$0x1] =	wrdreg $0xFFFFFFFF  }
0xcb: {  	_ =	task.clear_ibuf [dreg:s9], $0x2FFFF;
	_ =	strace $0x9FFFFFFF  }
0xcc: {  	(tm) =	ssettm $0x7FFFFFFF  }
0xcd: {  	_ =	shalt  }
tec
execute0_lowered:
.L_overlay_start_1:
0x0: {  	(tag) =	ssettag $0x1  }
0x1: {  	s0 =	rddreg [dreg:$0x0]  }
0x2: {  	s3 =	rddreg [dreg:$0x1]  }
0x3: {  	s4 =	rddreg [dreg:$0x2]  }
0x4: {  	s5 =	rddreg [dreg:$0x3]  }
0x5: {  	s1 =	rddreg [dreg:$0x4]  }
0x6: {  	s2 =	simm.s32 $0x0;
	s6 =	srdreg.scid;
	s22 =	stileid.u32  }
0x7: {  	s28 =	simm.s32 $0x5;
	s29 =	simm.s32 $0x100;
	s30 =	simm.s32 $0x80  }
0x8: {  	s31 =	simm.s32 $0x4100;
	[smem:$0x7FF] =	sst s2;
	s12 =	sadd.s32 $0x9C8400, s0  }
0x9: {  	s13 =	sand.u32 $0x1, s6;
	s17 =	sadd.s32 $0xEAA400, s0;
	s16 =	smul.u32 $0xA0, s22  }
0xa: {  	s15 =	sadd.s32 $0x4000, s0;
	s18 =	sadd.s32 $0x2B200, s0;
	s21 =	smul.u32 $0x4E000, s22  }
0xb: {  	p0 =	seq.s32 s22, $0xF;
	s14 =	smul.u32 $0x2700, s22;
	s9 =	sshll.u32 s22, $0x6  }
0xc: {  	s10 =	sadd.s32 $0x138000, s1;
	s11 =	sadd.s32 $0x27000, s5;
	s23 =	smul.u32 $0xA00, s22  }
0xd: {  	s24 =	smul.u32 $0x50000, s22;
	p2 =	sne.s32 s22, $0xF;
	_ =	strace $0x8000004A  }
0xe: {  	s6 =	ssub.s32 $0x2, s13;
	s9 =	sor.u32 $0x1C05, s9;
	[dreg:$0x7] =	wrdreg s18  }
0xf: {  	[dreg:$0x6] =	wrdreg s15;
	p1 =	seq.s32 s13, $0x0;
	s13 =	simm.s32 $0x4  }
0x10: {  	s7 =	sshrl.u32 s6, $0x1;
	s8 =	sadd.s32 s5, s14;
	s18 =	sadd.s32 s18, s14  }
0x11: {  	s14 =	sadd.s32 s15, s14;
	s15 =	sadd.s32 s4, s23;
	s25 =	sor.u32 $0x1, s16  }
0x12: {  	s16 =	sadd.s32 s17, s24;
	s19 =	sadd.s32 s3, s23;
	s20 =	ssub.s32 s6, s7  }
0x13: {  	s6 =	simm.s32 $0x31;
	s7 =	sshrl.u32 s21, $0x2;
	[dreg:$0x8] =	wrdreg s18  }
0x14: {  	[dreg:$0x9] =	wrdreg s14;
	s21 =	sshll.u32 s25, $0x4;
	s0 =	sshll.u32 s25, $0xB  }
0x15: {  	s23 =	sadd.s32 $0x1800, s16;
	s6 =	simm.s32 @!p0 $0x4F;
	s7 =	sadd.s32 s7, s1  }
0x16: {  	s14 =	smax.u32 s20, $0x1;
	s4 =	sadd.s32 s4, s21;
	s26 =	sadd.s32 s17, s0  }
.Ltmp0:
0x17: {  	s20 =	sadd.s32 s12, s24;
	[dreg:$0xa] =	wrdreg s4;
	(pc) =	sbr.rel .LBB2_1-.Ltmp0, $4  }
0x18: {  	s3 =	sadd.s32 s3, s21;
	s0 =	sadd.s32 s12, s0;
	[dreg:$0xb] =	wrdreg s26  }
0x19: {  	s24 =	sadd.s32 $0x30, s15;
	s12 =	simm.s32 $0x3;
	[dreg:$0xc] =	wrdreg s3  }
0x1a: {  	[dreg:$0xd] =	wrdreg s0;
	s25 =	sadd.s32 $0x1800, s20;
	s26 =	sadd.s32 $0x30, s19  }
0x1b: {  	s0 =	simm.s32 $0x1;
	s3 =	simm.s32 $0x2;
	s4 =	simm.s32 $0x0  }
.LBB2_8:
0x1c: {  	s5 =	sadd.s32 $0x27000, s5;
	s17 =	sshrl.u32 s10, $0x3  }
0x1d: {  	[hbm:s5], [sflag:s9] =	dma.local [spmem:s17], $0x100  }
0x1e: {  	_ =	swait.ge [sflag:s28], $0x100  }
0x1f: {  	[sflag:s28] =	ssyncset.done $0x0  }
0x20: {  	[sflag:s28] =	ssyncadd.s32 $0xFFFFFF00  }
.LBB2_9:
0x21: {  	s4 =	sadd.s32 $0x1, s4  }
0x22: {  	p3 =	sne.s32 s4, s14  }
.Ltmp1:
0x23: {  	_ = 	snop;
	(pc) =	sbr.rel @!p3 .LBB2_10-.Ltmp1, $1  }
0x24: {  	_ =	sdelay $0x3  }
.LBB2_1:
0x25: {  	s5 =	sshrl.u32 s7, $0x3  }
0x26: {  	[spmem:s5], [sflag:s9] =	dma.local [hbm:s8], $0x2700  }
0x27: {  	_ =	swait.ge [sflag:s28], $0x2700  }
0x28: {  	[sflag:s28] =	ssyncset.done $0x0  }
0x29: {  	s17 =	sshrl.u32 @!p2 s10, $0x3;
	[sflag:s28] =	ssyncadd.s32 $0xFFFFD900  }
0x2a: {  	[spmem:s17], [sflag:s9] =	dma.local @!p2 [hbm:s11], $0x100  }
0x2b: {  	s17 =	simm.s32 @!p2 $0x5  }
.Ltmp2:
0x2c: {  	_ =	swait.ge @!p2 [sflag:s17], $0x100;
	(pc) =	sbr.rel @!p1 .LBB2_2-.Ltmp2, $3  }
0x2d: {  	[sflag:s17] =	ssyncset.done @!p2 $0x0  }
0x2e: {  	[sflag:s17] =	ssyncadd.s32 @!p2 $0xFFFFFF00  }
0x2f: {  	[bflag:$0x0] =	sbarrier.arrive $0xFFFF;
	_ =	sdelay $0x1  }
0x30: {  	[tilespmem:s2], [sflag:$0x1] =	stream.linear.gather [hbm4b:s19+s2], $0x80, $0x38;
	[tilespmem:$0x1B980] =	vst v63  }
0x31: {  	_ = 	snop  }
0x32: {  	[tilespmem:s29], [sflag:$0x1] =	stream.linear.gather [hbm4b:s20+s2], $0x4000, $0x38;
	[tilespmem:$0x1B980] =	vst v63  }
0x33: {  	s17 =	rddreg [dreg:$0xc]  }
0x34: {  	[tilespmem:s30], [sflag:$0x2] =	stream.linear.gather [hbm4b:s17+s2], $0x80, $0x38;
	[tilespmem:$0x1B980] =	vst v63  }
0x35: {  	s18 =	rddreg [dreg:$0xd]  }
0x36: {  	[tilespmem:s31], [sflag:$0x2] =	stream.linear.gather [hbm4b:s18+s2], $0x4000, $0x38;
	[tilespmem:$0x1B980] =	vst v63  }
0x37: {  	_ =	swait.ge [sflag:s0], $0x80  }
0x38: {  	[sflag:s0] =	ssyncset.done $0x0  }
0x39: {  	[sflag:s0] =	ssyncadd.s32 $0xFFFFFF80  }
0x3a: {  	_ =	swait.ge [sflag:s0], $0x4000  }
0x3b: {  	[sflag:s0] =	ssyncset.done $0x0  }
0x3c: {  	[sflag:s0] =	ssyncadd.s32 $0xFFFFC000  }
0x3d: {  	[spmem:s1] =	stream.indirect.scatter.add.f32 [tilespmem:s29], [sflag:$0x3], $0x80, s2, s30, $0xb8;
	[tilespmem:$0x1B980] =	vst v63  }
0x3e: {  	_ =	swait.ge [sflag:s3], $0x80  }
0x3f: {  	[sflag:s3] =	ssyncset.done $0x0  }
0x40: {  	[sflag:s3] =	ssyncadd.s32 $0xFFFFFF80  }
0x41: {  	_ =	swait.ge [sflag:s3], $0x4000  }
0x42: {  	[sflag:s3] =	ssyncset.done $0x0  }
0x43: {  	[sflag:s3] =	ssyncadd.s32 $0xFFFFC000  }
0x44: {  	[spmem:s1] =	stream.indirect.scatter.add.f32 [tilespmem:s31], [sflag:$0x4], $0x80, s30, s30, $0xb8;
	[tilespmem:$0x1B980] =	vst v63  }
0x45: {  	_ =	swait.ge [sflag:s12], $0x4000  }
0x46: {  	[sflag:s12] =	ssyncset.done $0x0  }
0x47: {  	s21 =	sadd.s32 $0xFFFFFFF0, s26;
	[sflag:s12] =	ssyncadd.s32 $0xFFFFC000  }
0x48: {  	[tilespmem:s2], [sflag:$0x1] =	stream.linear.gather [hbm4b:s21+s2], $0x80, $0x38;
	[tilespmem:$0x1B980] =	vst v63  }
0x49: {  	s22 =	sadd.s32 $0xFFFFF800, s25  }
0x4a: {  	[tilespmem:s29], [sflag:$0x1] =	stream.linear.gather [hbm4b:s22+s2], $0x4000, $0x38;
	[tilespmem:$0x1B980] =	vst v63  }
0x4b: {  	_ =	swait.ge [sflag:s13], $0x4000  }
0x4c: {  	[sflag:s13] =	ssyncset.done $0x0  }
0x4d: {  	[sflag:s13] =	ssyncadd.s32 $0xFFFFC000  }
0x4e: {  	[tilespmem:s30], [sflag:$0x2] =	stream.linear.gather [hbm4b:s26+s2], $0x80, $0x38;
	[tilespmem:$0x1B980] =	vst v63  }
0x4f: {  	_ = 	snop  }
0x50: {  	[tilespmem:s31], [sflag:$0x2] =	stream.linear.gather [hbm4b:s25+s2], $0x4000, $0x38;
	[tilespmem:$0x1B980] =	vst v63  }
0x51: {  	_ =	swait.ge [sflag:s0], $0x80  }
0x52: {  	[sflag:s0] =	ssyncset.done $0x0  }
0x53: {  	[sflag:s0] =	ssyncadd.s32 $0xFFFFFF80  }
0x54: {  	_ =	swait.ge [sflag:s0], $0x4000  }
0x55: {  	[sflag:s0] =	ssyncset.done $0x0  }
0x56: {  	[sflag:s0] =	ssyncadd.s32 $0xFFFFC000  }
0x57: {  	[spmem:s1] =	stream.indirect.scatter.add.f32 [tilespmem:s29], [sflag:$0x3], $0x80, s2, s30, $0xb8;
	[tilespmem:$0x1B980] =	vst v63  }
0x58: {  	p3 =	sne.s32 s6, $0x1;
	_ =	swait.ge [sflag:s3], $0x80  }
.Ltmp3:
0x59: {  	[sflag:s3] =	ssyncset.done $0x0;
	(pc) =	sbr.rel @!p3 .LBB2_7-.Ltmp3, $4  }
0x5a: {  	[sflag:s3] =	ssyncadd.s32 $0xFFFFFF80  }
0x5b: {  	_ =	swait.ge [sflag:s3], $0x4000  }
0x5c: {  	s17 =	sadd.s32 $0xFFFFFFFF, s6;
	[sflag:s3] =	ssyncset.done $0x0  }
0x5d: {  	s18 =	sadd.s32 $0x1000, s25;
	s21 =	sadd.s32 $0x20, s26;
	[sflag:s3] =	ssyncadd.s32 $0xFFFFC000  }
.LBB2_6:
0x5e: {  	[spmem:s1] =	stream.indirect.scatter.add.f32 [tilespmem:s31], [sflag:$0x4], $0x80, s30, s30, $0xb8;
	[tilespmem:$0x1B980] =	vst v63  }
0x5f: {  	p3 =	sne.s32 s17, $0x1;
	s17 =	sadd.s32 $0xFFFFFFFF, s17;
	_ =	swait.ge [sflag:s12], $0x4000  }
0x60: {  	[sflag:s12] =	ssyncset.done $0x0  }
0x61: {  	s22 =	sadd.s32 $0xFFFFFFF0, s21;
	[sflag:s12] =	ssyncadd.s32 $0xFFFFC000  }
0x62: {  	[tilespmem:s2], [sflag:$0x1] =	stream.linear.gather [hbm4b:s22+s2], $0x80, $0x38;
	[tilespmem:$0x1B980] =	vst v63  }
0x63: {  	s22 =	sadd.s32 $0xFFFFF800, s18  }
0x64: {  	[tilespmem:s29], [sflag:$0x1] =	stream.linear.gather [hbm4b:s22+s2], $0x4000, $0x38;
	[tilespmem:$0x1B980] =	vst v63  }
0x65: {  	_ =	swait.ge [sflag:s13], $0x4000  }
0x66: {  	[sflag:s13] =	ssyncset.done $0x0  }
0x67: {  	[sflag:s13] =	ssyncadd.s32 $0xFFFFC000  }
0x68: {  	[tilespmem:s30], [sflag:$0x2] =	stream.linear.gather [hbm4b:s21+s2], $0x80, $0x38;
	[tilespmem:$0x1B980] =	vst v63  }
0x69: {  	_ = 	snop  }
0x6a: {  	[tilespmem:s31], [sflag:$0x2] =	stream.linear.gather [hbm4b:s18+s2], $0x4000, $0x38;
	[tilespmem:$0x1B980] =	vst v63  }
0x6b: {  	_ =	swait.ge [sflag:s0], $0x80  }
0x6c: {  	[sflag:s0] =	ssyncset.done $0x0  }
0x6d: {  	[sflag:s0] =	ssyncadd.s32 $0xFFFFFF80  }
0x6e: {  	_ =	swait.ge [sflag:s0], $0x4000  }
0x6f: {  	[sflag:s0] =	ssyncset.done $0x0  }
0x70: {  	[sflag:s0] =	ssyncadd.s32 $0xFFFFC000  }
0x71: {  	[spmem:s1] =	stream.indirect.scatter.add.f32 [tilespmem:s29], [sflag:$0x3], $0x80, s2, s30, $0xb8;
	[tilespmem:$0x1B980] =	vst v63  }
0x72: {  	_ =	swait.ge [sflag:s3], $0x80  }
.Ltmp4:
0x73: {  	[sflag:s3] =	ssyncset.done $0x0;
	(pc) =	sbr.rel @p3 .LBB2_6-.Ltmp4, $4  }
0x74: {  	[sflag:s3] =	ssyncadd.s32 $0xFFFFFF80  }
0x75: {  	_ =	swait.ge [sflag:s3], $0x4000  }
0x76: {  	[sflag:s3] =	ssyncset.done $0x0  }
0x77: {  	s21 =	sadd.s32 $0x20, s21;
	s18 =	sadd.s32 $0x1000, s18;
	[sflag:s3] =	ssyncadd.s32 $0xFFFFC000  }
.LBB2_7:
0x78: {  	[spmem:s1] =	stream.indirect.scatter.add.f32 [tilespmem:s31], [sflag:$0x4], $0x80, s30, s30, $0xb8;
	[tilespmem:$0x1B980] =	vst v63  }
0x79: {  	_ =	swait.ge [sflag:s12], $0x4000  }
0x7a: {  	[sflag:s12] =	ssyncset.done $0x0  }
0x7b: {  	[sflag:s12] =	ssyncadd.s32 $0xFFFFC000  }
0x7c: {  	_ =	swait.ge [sflag:s13], $0x4000  }
0x7d: {  	[sflag:s13] =	ssyncset.done $0x0  }
0x7e: {  	[sflag:s13] =	ssyncadd.s32 $0xFFFFC000  }
0x7f: {  	[bflag:$0x0] =	sbarrier.arrive $0xFFFF  }
0x80: {  	s17 =	rddreg [dreg:$0x9]  }
0x81: {  	[hbm:s17], [sflag:s9] =	dma.local [spmem:s5], $0x2700  }
.Ltmp5:
0x82: {  	_ = 	snop;
	(pc) =	sbr.rel @!p0 .LBB2_9-.Ltmp5, $4  }
.Ltmp6:
0x83: {  	_ = 	snop;
	(pc) =	sbr.rel @p0 .LBB2_8-.Ltmp6, $4  }
0x84: {  	_ =	swait.ge [sflag:s28], $0x2700  }
0x85: {  	[sflag:s28] =	ssyncset.done $0x0  }
0x86: {  	s5 =	rddreg [dreg:$0x6];
	[sflag:s28] =	ssyncadd.s32 $0xFFFFD900  }
0x87: {  	_ = 	snop  }
.LBB2_2:
0x88: {  	[tilespmem:s2], [sflag:$0x1] =	stream.linear.gather [hbm4b:s15+s2], $0x80, $0x38;
	[tilespmem:$0x1B980] =	vst v63  }
0x89: {  	_ = 	snop  }
0x8a: {  	[tilespmem:s29], [sflag:$0x1] =	stream.linear.gather [hbm4b:s16+s2], $0x4000, $0x38;
	[tilespmem:$0x1B980] =	vst v63  }
0x8b: {  	s17 =	rddreg [dreg:$0xa]  }
0x8c: {  	[tilespmem:s30], [sflag:$0x2] =	stream.linear.gather [hbm4b:s17+s2], $0x80, $0x38;
	[tilespmem:$0x1B980] =	vst v63  }
0x8d: {  	s18 =	rddreg [dreg:$0xb]  }
0x8e: {  	[tilespmem:s31], [sflag:$0x2] =	stream.linear.gather [hbm4b:s18+s2], $0x4000, $0x38;
	[tilespmem:$0x1B980] =	vst v63  }
0x8f: {  	_ =	swait.ge [sflag:s0], $0x80  }
0x90: {  	[sflag:s0] =	ssyncset.done $0x0  }
0x91: {  	[sflag:s0] =	ssyncadd.s32 $0xFFFFFF80  }
0x92: {  	_ =	swait.ge [sflag:s0], $0x4000  }
0x93: {  	[sflag:s0] =	ssyncset.done $0x0  }
0x94: {  	[sflag:s0] =	ssyncadd.s32 $0xFFFFC000  }
0x95: {  	[spmem:s1] =	stream.indirect.scatter.add.f32 [tilespmem:s29], [sflag:$0x3], $0x80, s2, s30, $0xb8;
	[tilespmem:$0x1B980] =	vst v63  }
0x96: {  	_ =	swait.ge [sflag:s3], $0x80  }
0x97: {  	[sflag:s3] =	ssyncset.done $0x0  }
0x98: {  	[sflag:s3] =	ssyncadd.s32 $0xFFFFFF80  }
0x99: {  	_ =	swait.ge [sflag:s3], $0x4000  }
0x9a: {  	[sflag:s3] =	ssyncset.done $0x0  }
0x9b: {  	[sflag:s3] =	ssyncadd.s32 $0xFFFFC000  }
0x9c: {  	[spmem:s1] =	stream.indirect.scatter.add.f32 [tilespmem:s31], [sflag:$0x4], $0x80, s30, s30, $0xb8;
	[tilespmem:$0x1B980] =	vst v63  }
0x9d: {  	_ =	swait.ge [sflag:s12], $0x4000  }
0x9e: {  	[sflag:s12] =	ssyncset.done $0x0  }
0x9f: {  	s21 =	sadd.s32 $0xFFFFFFF0, s24;
	[sflag:s12] =	ssyncadd.s32 $0xFFFFC000  }
0xa0: {  	[tilespmem:s2], [sflag:$0x1] =	stream.linear.gather [hbm4b:s21+s2], $0x80, $0x38;
	[tilespmem:$0x1B980] =	vst v63  }
0xa1: {  	s22 =	sadd.s32 $0xFFFFF800, s23  }
0xa2: {  	[tilespmem:s29], [sflag:$0x1] =	stream.linear.gather [hbm4b:s22+s2], $0x4000, $0x38;
	[tilespmem:$0x1B980] =	vst v63  }
0xa3: {  	_ =	swait.ge [sflag:s13], $0x4000  }
0xa4: {  	[sflag:s13] =	ssyncset.done $0x0  }
0xa5: {  	[sflag:s13] =	ssyncadd.s32 $0xFFFFC000  }
0xa6: {  	[tilespmem:s30], [sflag:$0x2] =	stream.linear.gather [hbm4b:s24+s2], $0x80, $0x38;
	[tilespmem:$0x1B980] =	vst v63  }
0xa7: {  	_ = 	snop  }
0xa8: {  	[tilespmem:s31], [sflag:$0x2] =	stream.linear.gather [hbm4b:s23+s2], $0x4000, $0x38;
	[tilespmem:$0x1B980] =	vst v63  }
0xa9: {  	_ =	swait.ge [sflag:s0], $0x80  }
0xaa: {  	[sflag:s0] =	ssyncset.done $0x0  }
0xab: {  	[sflag:s0] =	ssyncadd.s32 $0xFFFFFF80  }
0xac: {  	_ =	swait.ge [sflag:s0], $0x4000  }
0xad: {  	[sflag:s0] =	ssyncset.done $0x0  }
0xae: {  	[sflag:s0] =	ssyncadd.s32 $0xFFFFC000  }
0xaf: {  	[spmem:s1] =	stream.indirect.scatter.add.f32 [tilespmem:s29], [sflag:$0x3], $0x80, s2, s30, $0xb8;
	[tilespmem:$0x1B980] =	vst v63  }
0xb0: {  	p3 =	sne.s32 s6, $0x1;
	_ =	swait.ge [sflag:s3], $0x80  }
.Ltmp7:
0xb1: {  	[sflag:s3] =	ssyncset.done $0x0;
	(pc) =	sbr.rel @!p3 .LBB2_4-.Ltmp7, $4  }
0xb2: {  	[sflag:s3] =	ssyncadd.s32 $0xFFFFFF80  }
0xb3: {  	_ =	swait.ge [sflag:s3], $0x4000  }
0xb4: {  	s17 =	sadd.s32 $0xFFFFFFFF, s6;
	[sflag:s3] =	ssyncset.done $0x0  }
0xb5: {  	s18 =	sadd.s32 $0x1000, s23;
	s21 =	sadd.s32 $0x20, s24;
	[sflag:s3] =	ssyncadd.s32 $0xFFFFC000  }
.LBB2_3:
0xb6: {  	[spmem:s1] =	stream.indirect.scatter.add.f32 [tilespmem:s31], [sflag:$0x4], $0x80, s30, s30, $0xb8;
	[tilespmem:$0x1B980] =	vst v63  }
0xb7: {  	p3 =	sne.s32 s17, $0x1;
	s17 =	sadd.s32 $0xFFFFFFFF, s17;
	_ =	swait.ge [sflag:s12], $0x4000  }
0xb8: {  	[sflag:s12] =	ssyncset.done $0x0  }
0xb9: {  	s22 =	sadd.s32 $0xFFFFFFF0, s21;
	[sflag:s12] =	ssyncadd.s32 $0xFFFFC000  }
0xba: {  	[tilespmem:s2], [sflag:$0x1] =	stream.linear.gather [hbm4b:s22+s2], $0x80, $0x38;
	[tilespmem:$0x1B980] =	vst v63  }
0xbb: {  	s22 =	sadd.s32 $0xFFFFF800, s18  }
0xbc: {  	[tilespmem:s29], [sflag:$0x1] =	stream.linear.gather [hbm4b:s22+s2], $0x4000, $0x38;
	[tilespmem:$0x1B980] =	vst v63  }
0xbd: {  	_ =	swait.ge [sflag:s13], $0x4000  }
0xbe: {  	[sflag:s13] =	ssyncset.done $0x0  }
0xbf: {  	[sflag:s13] =	ssyncadd.s32 $0xFFFFC000  }
0xc0: {  	[tilespmem:s30], [sflag:$0x2] =	stream.linear.gather [hbm4b:s21+s2], $0x80, $0x38;
	[tilespmem:$0x1B980] =	vst v63  }
0xc1: {  	_ = 	snop  }
0xc2: {  	[tilespmem:s31], [sflag:$0x2] =	stream.linear.gather [hbm4b:s18+s2], $0x4000, $0x38;
	[tilespmem:$0x1B980] =	vst v63  }
0xc3: {  	_ =	swait.ge [sflag:s0], $0x80  }
0xc4: {  	[sflag:s0] =	ssyncset.done $0x0  }
0xc5: {  	[sflag:s0] =	ssyncadd.s32 $0xFFFFFF80  }
0xc6: {  	_ =	swait.ge [sflag:s0], $0x4000  }
0xc7: {  	[sflag:s0] =	ssyncset.done $0x0  }
0xc8: {  	[sflag:s0] =	ssyncadd.s32 $0xFFFFC000  }
0xc9: {  	[spmem:s1] =	stream.indirect.scatter.add.f32 [tilespmem:s29], [sflag:$0x3], $0x80, s2, s30, $0xb8;
	[tilespmem:$0x1B980] =	vst v63  }
0xca: {  	_ =	swait.ge [sflag:s3], $0x80  }
.Ltmp8:
0xcb: {  	[sflag:s3] =	ssyncset.done $0x0;
	(pc) =	sbr.rel @p3 .LBB2_3-.Ltmp8, $4  }
0xcc: {  	[sflag:s3] =	ssyncadd.s32 $0xFFFFFF80  }
0xcd: {  	_ =	swait.ge [sflag:s3], $0x4000  }
0xce: {  	[sflag:s3] =	ssyncset.done $0x0  }
0xcf: {  	s21 =	sadd.s32 $0x20, s21;
	s18 =	sadd.s32 $0x1000, s18;
	[sflag:s3] =	ssyncadd.s32 $0xFFFFC000  }
.LBB2_4:
0xd0: {  	[spmem:s1] =	stream.indirect.scatter.add.f32 [tilespmem:s31], [sflag:$0x4], $0x80, s30, s30, $0xb8;
	[tilespmem:$0x1B980] =	vst v63  }
0xd1: {  	_ =	swait.ge [sflag:s12], $0x4000  }
0xd2: {  	[sflag:s12] =	ssyncset.done $0x0  }
0xd3: {  	[sflag:s12] =	ssyncadd.s32 $0xFFFFC000  }
0xd4: {  	_ =	swait.ge [sflag:s13], $0x4000  }
0xd5: {  	[sflag:s13] =	ssyncset.done $0x0  }
0xd6: {  	[sflag:s13] =	ssyncadd.s32 $0xFFFFC000  }
0xd7: {  	[bflag:$0x0] =	sbarrier.arrive $0xFFFF  }
0xd8: {  	s17 =	rddreg [dreg:$0x8]  }
0xd9: {  	[hbm:s17], [sflag:s9] =	dma.local [spmem:s5], $0x2700  }
.Ltmp9:
0xda: {  	_ = 	snop;
	(pc) =	sbr.rel @p2 .LBB2_9-.Ltmp9, $4  }
.Ltmp10:
0xdb: {  	_ = 	snop;
	(pc) =	sbr.rel @!p2 .LBB2_8-.Ltmp10, $4  }
0xdc: {  	_ =	swait.ge [sflag:s28], $0x2700  }
0xdd: {  	[sflag:s28] =	ssyncset.done $0x0  }
0xde: {  	s5 =	rddreg [dreg:$0x7];
	[sflag:s28] =	ssyncadd.s32 $0xFFFFD900  }
0xdf: {  	_ = 	snop  }
.LBB2_10:
0xe0: {  	_ =	sfence.sel $0x180000  }
0xe1: {  	[bflag:$0x0] =	sbarrier.arrive $0xFFFF  }
0xe2: {  	_ =	strace $0x9000004A  }
0xe3: {  	s0 =	stileid.u32;
	[bflag:$0x2] =	sbarrier.arrive $0xFFFF  }
0xe4: {  	p0 =	sne.s32 s0, $0x0;
	s0 =	rddreg [dreg:$0x5]  }
0xe5: {  	s0 =	sadd.s32 @!p0 $0x100000, s0  }
0xe6: {  	[sflag:s0] =	ssyncadd.tile.s32 @!p0 $0x1;
	_ =	shalt  }
.Lfunc_end2:
_tile_overlayer_lowered:
.L_overlay_start_2:
0xe7: {  	(tag) =	ssettag $0x2  }
0xe8: {  	s0 =	rddreg [dreg:$0x0];
	s2 =	stileid.u32  }
0xe9: {  	s1 =	rddreg [dreg:$0x1];
	p0 =	sne.s32 s2, $0x0  }
0xea: {  	s3 =	rddreg [dreg:$0x2];
	[bflag:$0x3] =	sbarrier.arrive $0xFFFF;
	s2 =	simm.s32 @!p0 $0x1C05  }
0xeb: {  	[timem:s3], [sflag:s2] =	dma.local @!p0 [hbm:s0], s1  }
0xec: {  	s0 =	simm.s32 @!p0 $0x5  }
0xed: {  	_ =	swait.ge @!p0 [sflag:s0], s1  }
0xee: {  	s1 =	ssub.s32 @!p0 $0x0, s1;
	[sflag:s0] =	ssyncset.done @!p0 $0x0  }
0xef: {  	[sflag:s0] =	ssyncadd.s32 @!p0 s1  }
0xf0: {  	[bflag:$0x3] =	sbarrier.arrive $0xFFFF  }
0xf1: {  	_ =	shalt  }

</sc_bundles>
